<compile_context>
chip_gen: v7x
topology: tpu7x:2x2x1
jax: 0.10.2.dev20260603
libtpu: 0.0.44.dev20260713+nightly
codegen_flags: <defaults>
</compile_context>

<pallas_src>
import functools

import jax
import jax.numpy as jnp
from jax import lax
from jax.experimental import pallas as pl
from jax.experimental.pallas import tpu as pltpu
from jax.experimental.pallas import tpu_sc as plsc

N_NODES = 10000
N_EDGES = 320000
D = 128
GAMMA = 10.0
C_SCALE = 6.0 / 127.0
DUMMY = N_NODES


EDGE_BLK = 16000


def _edge_feat_body(d_ref, dst_ref, w1_ref, b1_ref, w2_ref, b2_ref,
                    out_ref, idx_ref):
    d_row = d_ref[0]
    idx_ref[0] = jnp.where(
        d_row < 3.0, dst_ref[0], jnp.full_like(dst_ref[0], DUMMY)
    )

    d = jnp.transpose(d_row, (1, 0))
    centers = lax.broadcasted_iota(jnp.int32, (1, D), 1).astype(jnp.float32) * C_SCALE
    diff = d - centers
    rbf = jnp.exp((-GAMMA) * diff * diff)

    feats = []
    for k in range(3):
        h = jnp.maximum(
            jnp.dot(rbf, w1_ref[k], preferred_element_type=jnp.float32)
            + b1_ref[k, :][None, :],
            0.0,
        )
        f = (
            jnp.dot(h, w2_ref[k], preferred_element_type=jnp.float32)
            + b2_ref[k, :][None, :]
        )
        feats.append(f)

    m1 = d >= 3.0
    m2 = d >= 4.5
    out_ref[...] = jnp.where(m2, feats[2], jnp.where(m1, feats[1], feats[0]))


def _edge_feat(d_rows, dst_rows, w1, b1, w2, b2):
    grid = N_EDGES // EDGE_BLK
    return pl.pallas_call(
        _edge_feat_body,
        grid=(grid,),
        in_specs=[
            pl.BlockSpec((1, 1, EDGE_BLK), lambda i: (i, 0, 0)),
            pl.BlockSpec((1, 1, EDGE_BLK), lambda i: (i, 0, 0)),
            pl.BlockSpec((3, D, D), lambda i: (0, 0, 0)),
            pl.BlockSpec((3, D), lambda i: (0, 0)),
            pl.BlockSpec((3, D, D), lambda i: (0, 0, 0)),
            pl.BlockSpec((3, D), lambda i: (0, 0)),
        ],
        out_specs=[
            pl.BlockSpec((EDGE_BLK, D), lambda i: (i, 0)),
            pl.BlockSpec((1, 1, EDGE_BLK), lambda i: (i, 0, 0)),
        ],
        out_shape=[
            jax.ShapeDtypeStruct((N_EDGES, D), jnp.float32),
            jax.ShapeDtypeStruct((N_EDGES // EDGE_BLK, 1, EDGE_BLK), jnp.int32),
        ],
        compiler_params=pltpu.CompilerParams(
            dimension_semantics=("arbitrary",),
        ),
    )(d_rows, dst_rows, w1, b1, w2, b2)



NC, NS = 2, 16
NW = NC * NS
E_PER_W = N_EDGES // NW
CHUNK = 80
N_CHUNKS = E_PER_W // CHUNK
ACC_ROWS = 10008
OUT_ROWS = 624
NBUF = 4


def _seg_body(idx_hbm, feat_hbm, zeros_hbm, out_hbm,
              idx_v, feat_v, acc_s, gsem, isem, zsem):
    core = lax.axis_index("c")
    sid = lax.axis_index("s")
    wid = core * NS + sid
    base = wid * E_PER_W

    zbase = sid * OUT_ROWS
    pltpu.async_copy(
        zeros_hbm.at[pl.ds(zbase, OUT_ROWS)],
        acc_s.at[pl.ds(zbase, OUT_ROWS)],
        zsem,
    )

    @pl.when(sid == 0)
    def _ztail():
        pltpu.async_copy(
            zeros_hbm.at[pl.ds(NS * OUT_ROWS, N_NODES - NS * OUT_ROWS)],
            acc_s.at[pl.ds(NS * OUT_ROWS, N_NODES - NS * OUT_ROWS)],
            zsem,
        )

    pltpu.make_async_copy(
        zeros_hbm.at[pl.ds(zbase, OUT_ROWS)],
        acc_s.at[pl.ds(zbase, OUT_ROWS)],
        zsem,
    ).wait()

    @pl.when(sid == 0)
    def _ztailw():
        pltpu.make_async_copy(
            zeros_hbm.at[pl.ds(NS * OUT_ROWS, N_NODES - NS * OUT_ROWS)],
            acc_s.at[pl.ds(NS * OUT_ROWS, N_NODES - NS * OUT_ROWS)],
            zsem,
        ).wait()

    plsc.subcore_barrier()

    def _fetch(j, b):
        pltpu.async_copy(
            feat_hbm.at[pl.ds(base + j * CHUNK, CHUNK)],
            feat_v.at[b],
            gsem.at[b],
        )
        pltpu.async_copy(idx_hbm.at[wid, j], idx_v.at[b], isem.at[b])

    for b in range(NBUF):
        _fetch(b, b)

    def _visit(j, b):
        pltpu.make_async_copy(
            feat_hbm.at[pl.ds(base, CHUNK)], feat_v.at[b], gsem.at[b]
        ).wait()
        pltpu.make_async_copy(
            idx_hbm.at[wid, 0], idx_v.at[b], isem.at[b]
        ).wait()
        pltpu.sync_copy(feat_v.at[b], acc_s.at[idx_v.at[b]], add=True)

        @pl.when(j + NBUF < N_CHUNKS)
        def _next():
            _fetch(j + NBUF, b)

    @pl.loop(0, N_CHUNKS // NBUF)
    def _ring(g):
        for b in range(NBUF):
            _visit(g * NBUF + b, b)

    for j in range((N_CHUNKS // NBUF) * NBUF, N_CHUNKS):
        _visit(j, j % NBUF)

    plsc.subcore_barrier()

    pltpu.sync_copy(
        acc_s.at[pl.ds(zbase, OUT_ROWS)],
        out_hbm.at[core, pl.ds(zbase, OUT_ROWS)],
    )

    @pl.when(sid == 0)
    def _tail():
        pltpu.sync_copy(
            acc_s.at[pl.ds(NS * OUT_ROWS, N_NODES - NS * OUT_ROWS)],
            out_hbm.at[core, pl.ds(NS * OUT_ROWS, N_NODES - NS * OUT_ROWS)],
        )


@functools.partial(jax.jit, static_argnums=())
def _segment_sum_sc(idx_rows, edge_feat, zeros):
    mesh = plsc.VectorSubcoreMesh(core_axis_name="c", subcore_axis_name="s")
    f = pl.kernel(
        _seg_body,
        out_type=jax.ShapeDtypeStruct((NC, N_NODES, D), jnp.float32),
        mesh=mesh,
        scratch_types=[
            pltpu.VMEM((NBUF, CHUNK), jnp.int32),
            pltpu.VMEM((NBUF, CHUNK, D), jnp.float32),
            pltpu.VMEM_SHARED((ACC_ROWS, D), jnp.float32),
            pltpu.SemaphoreType.DMA((NBUF,)),
            pltpu.SemaphoreType.DMA((NBUF,)),
            pltpu.SemaphoreType.DMA,
        ],
    )
    return f(idx_rows, edge_feat, zeros)




def kernel(edge_lengths, edge_index, pos,
           W1_0, b1_0, W2_0, b2_0,
           W1_1, b1_1, W2_1, b2_1,
           W1_2, b1_2, W2_2, b2_2):
    w1 = jnp.stack([W1_0, W1_1, W1_2])
    b1 = jnp.stack([b1_0, b1_1, b1_2])
    w2 = jnp.stack([W2_0, W2_1, W2_2])
    b2 = jnp.stack([b2_0, b2_1, b2_2])
    d_rows = edge_lengths.reshape(N_EDGES // EDGE_BLK, 1, EDGE_BLK)
    dst_rows = edge_index[1].reshape(N_EDGES // EDGE_BLK, 1, EDGE_BLK)

    edge_feat, idx_rows = _edge_feat(d_rows, dst_rows, w1, b1, w2, b2)

    zeros = jnp.zeros((N_NODES, D), jnp.float32)
    partials = _segment_sum_sc(
        idx_rows.reshape(NW, N_CHUNKS, CHUNK), edge_feat, zeros
    )
    node_energy = partials[0] + partials[1]
    return edge_feat, node_energy

# --- scband reference (transcript-rebuilt; emitter-appended) ---
"""Pipeline reference for scband-distance-ensemble-wrapper-63986422776399 (READ-ONLY COPY).

The authoritative reference and input builder live on the scoring server;
editing this copy changes nothing except your own understanding.
"""

import jax, jax.numpy as jnp
import numpy as np

N_NODES = 10000
N_EDGES = 320000
D = 128
NUM_EXPERTS = 3
DIST_RANGES = [(0.0, 3.0), (3.0, 4.5), (4.5, 6.0)]
CENTERS = jnp.linspace(0.0, 6.0, D, dtype=jnp.float32)
GAMMA = 10.0


def setup_inputs(seed: int = 0) -> dict:
    key = jax.random.key(seed)
    ks = jax.random.split(key, 4 + 4 * NUM_EXPERTS)
    inp = {}
    # batch dict contents (edge-aligned distance ensemble inputs)
    inp['edge_lengths'] = jax.random.uniform(ks[0], (N_EDGES,), dtype=jnp.float32) * 6.0
    inp['edge_index'] = jax.random.randint(ks[1], (2, N_EDGES), 0, N_NODES, dtype=jnp.int32)
    inp['pos'] = jax.random.normal(ks[2], (N_NODES, 3), dtype=jnp.float32)
    # per-expert edge-MLP parameters (experts passed to __init__ in torch)
    for i in range(NUM_EXPERTS):
        inp[f'W1_{i}'] = jax.random.normal(ks[3 + 4 * i], (D, D), dtype=jnp.float32) * 0.05
        inp[f'b1_{i}'] = jnp.zeros((D,), dtype=jnp.float32)
        inp[f'W2_{i}'] = jax.random.normal(ks[4 + 4 * i], (D, D), dtype=jnp.float32) * 0.05
        inp[f'b2_{i}'] = jnp.zeros((D,), dtype=jnp.float32)
    return inp


def _rbf(d):
    return jnp.exp(-GAMMA * (d[:, None] - CENTERS[None, :]) ** 2)


def _build_expert_mask(edge_lengths, expert_idx):
    d_min, d_max = DIST_RANGES[expert_idx]
    if expert_idx == NUM_EXPERTS - 1:
        return edge_lengths >= d_min
    return (edge_lengths >= d_min) & (edge_lengths < d_max)


def _expert(edge_lengths, edge_mask, edge_index, num_nodes, W1, b1, W2, b2):
    # each expert: RBF-expanded distances -> 2-layer MLP -> edge features, masked to its range
    h = jax.nn.relu(_rbf(edge_lengths) @ W1 + b1)
    edge_feat = (h @ W2 + b2) * edge_mask[:, None].astype(jnp.float32)
    # node-aligned output via scatter-add over destination nodes (SparseCore segment_sum)
    node_energy = jax.ops.segment_sum(edge_feat, edge_index[1], num_segments=num_nodes)
    return edge_feat, node_energy


def reference(edge_lengths, edge_index, pos,
              W1_0, b1_0, W2_0, b2_0,
              W1_1, b1_1, W2_1, b2_1,
              W1_2, b1_2, W2_2, b2_2):
    num_nodes = pos.shape[0]
    params = [(W1_0, b1_0, W2_0, b2_0), (W1_1, b1_1, W2_1, b2_1), (W1_2, b1_2, W2_2, b2_2)]
    # expert 0 runs first and seeds the result dict
    mask0 = _build_expert_mask(edge_lengths, 0)
    edge_feat, node_energy = _expert(edge_lengths, mask0, edge_index, num_nodes, *params[0])
    # remaining experts: stitch edge-aligned outputs res[key][mask] = res_i[key][mask]
    for i in range(1, NUM_EXPERTS):
        mask_i = _build_expert_mask(edge_lengths, i)
        edge_feat_i, _node_energy_i = _expert(edge_lengths, mask_i, edge_index, num_nodes, *params[i])
        edge_feat = jnp.where(mask_i[:, None], edge_feat_i, edge_feat)
        # node_energy has shape[0] == num_nodes != num_edges, so _stitch skips it (expert 0 kept)
    return edge_feat, node_energy

if __name__ == "__main__":
    import jax
    _d = setup_inputs()
    print(jax.jit(kernel)(*tuple(_d.values())))

</pallas_src>

<mosaic_0001>
#map = affine_map<(d0, d1) -> (0, 0, 0)>
#map1 = affine_map<(d0, d1) -> (0, 0)>
module attributes {stable_mosaic.version = 14 : i64} {
  func.func @_seg_body(%arg0: i32, %arg1: i32, %arg2: memref<32x125x80xi32, #tpu.memory_space<hbm>>, %arg3: memref<320000x128xf32, #tpu.memory_space<hbm>>, %arg4: memref<10000x128xf32, #tpu.memory_space<hbm>>, %arg5: memref<2x10000x128xf32, #tpu.memory_space<hbm>>, %arg6: memref<4x80xi32, #tpu.memory_space<vmem>>, %arg7: memref<4x80x128xf32, #tpu.memory_space<vmem>>, %arg8: memref<10008x128xf32, #tpu.memory_space<vmem_shared>>, %arg9: memref<4x!tpu.dma_semaphore, #tpu.memory_space<semaphore_mem>>, %arg10: memref<4x!tpu.dma_semaphore, #tpu.memory_space<semaphore_mem>>, %arg11: memref<!tpu.dma_semaphore, #tpu.memory_space<semaphore_mem>>) attributes {dimension_semantics = [#tpu.dimension_semantics<core_parallel>, #tpu.dimension_semantics<subcore_parallel>], iteration_bounds = array<i64: 2, 16>, scalar_prefetch = 0 : i64, scratch_operands = 6 : i64, tpu.core_type = #tpu.core_type<sc_vector_subcore>, window_params = [{transform_indices = #map}, {transform_indices = #map1}, {transform_indices = #map1}, {transform_indices = #map}]} {
    %mul3A = arith.constant 16 : i32
    %mul3A_0 = arith.muli %arg0, %mul3A : i32
    %add3A = arith.addi %mul3A_0, %arg1 : i32
    %mul3A_1 = arith.constant 10000 : i32
    %mul3A_2 = arith.muli %add3A, %mul3A_1 : i32
    %mul3A_3 = arith.constant 624 : i32
    %mul3A_4 = arith.muli %arg1, %mul3A_3 : i32
    %dma_start3A = arith.constant 0 : i32
    %dma_start3A_5 = tpu.memref_slice %arg8[%mul3A_4, %dma_start3A] : memref<10008x128xf32, #tpu.memory_space<vmem_shared>> -> memref<624x128xf32, #tpu.memory_space<vmem_shared>>
    %dma_start3A_6 = arith.constant 0 : i32
    %dma_start3A_7 = tpu.memref_slice %arg4[%mul3A_4, %dma_start3A_6] : memref<10000x128xf32, #tpu.memory_space<hbm>> -> memref<624x128xf32, #tpu.memory_space<hbm>>
    tpu.enqueue_dma source(%dma_start3A_7 : memref<624x128xf32, #tpu.memory_space<hbm>>) target(%dma_start3A_5 : memref<624x128xf32, #tpu.memory_space<vmem_shared>>) target_semaphore(%arg11 : memref<!tpu.dma_semaphore, #tpu.memory_space<semaphore_mem>>)
    %eq3A = arith.constant 0 : i32
    %eq3A_8 = arith.cmpi eq, %arg1, %eq3A : i32
    %convert_element_type3A = arith.extui %eq3A_8 : i1 to i32
    %cond3A = arith.constant 0 : i32
    %cond3A_9 = arith.cmpi ne, %convert_element_type3A, %cond3A : i32
    scf.if %cond3A_9 {
      %dma_start3A_202 = arith.constant 9984 : i32
      %dma_start3A_203 = arith.constant 0 : i32
      %dma_start3A_204 = tpu.memref_slice %arg8[%dma_start3A_202, %dma_start3A_203] : memref<10008x128xf32, #tpu.memory_space<vmem_shared>> -> memref<16x128xf32, #tpu.memory_space<vmem_shared>>
      %dma_start3A_205 = arith.constant 9984 : i32
      %dma_start3A_206 = arith.constant 0 : i32
      %dma_start3A_207 = tpu.memref_slice %arg4[%dma_start3A_205, %dma_start3A_206] : memref<10000x128xf32, #tpu.memory_space<hbm>> -> memref<16x128xf32, #tpu.memory_space<hbm>>
      tpu.enqueue_dma source(%dma_start3A_207 : memref<16x128xf32, #tpu.memory_space<hbm>>) target(%dma_start3A_204 : memref<16x128xf32, #tpu.memory_space<vmem_shared>>) target_semaphore(%arg11 : memref<!tpu.dma_semaphore, #tpu.memory_space<semaphore_mem>>)
    } else {
    }
    %dma_wait3A = arith.constant 0 : i32
    %dma_wait3A_10 = tpu.memref_slice %arg8[%mul3A_4, %dma_wait3A] : memref<10008x128xf32, #tpu.memory_space<vmem_shared>> -> memref<624x128xf32, #tpu.memory_space<vmem_shared>>
    %dma_wait3A_11 = arith.constant 0 : i32
    %dma_wait3A_12 = tpu.memref_slice %arg4[%mul3A_4, %dma_wait3A_11] : memref<10000x128xf32, #tpu.memory_space<hbm>> -> memref<624x128xf32, #tpu.memory_space<hbm>>
    tpu.wait_dma2 semaphore(%arg11 : memref<!tpu.dma_semaphore, #tpu.memory_space<semaphore_mem>>) src(%dma_wait3A_12 : memref<624x128xf32, #tpu.memory_space<hbm>>) dst(%dma_wait3A_10 : memref<624x128xf32, #tpu.memory_space<vmem_shared>>)
    %eq3A_13 = arith.constant 0 : i32
    %eq3A_14 = arith.cmpi eq, %arg1, %eq3A_13 : i32
    %convert_element_type3A_15 = arith.extui %eq3A_14 : i1 to i32
    %cond3A_16 = arith.constant 0 : i32
    %cond3A_17 = arith.cmpi ne, %convert_element_type3A_15, %cond3A_16 : i32
    scf.if %cond3A_17 {
      %dma_wait3A_202 = arith.constant 9984 : i32
      %dma_wait3A_203 = arith.constant 0 : i32
      %dma_wait3A_204 = tpu.memref_slice %arg8[%dma_wait3A_202, %dma_wait3A_203] : memref<10008x128xf32, #tpu.memory_space<vmem_shared>> -> memref<16x128xf32, #tpu.memory_space<vmem_shared>>
      %dma_wait3A_205 = arith.constant 9984 : i32
      %dma_wait3A_206 = arith.constant 0 : i32
      %dma_wait3A_207 = tpu.memref_slice %arg4[%dma_wait3A_205, %dma_wait3A_206] : memref<10000x128xf32, #tpu.memory_space<hbm>> -> memref<16x128xf32, #tpu.memory_space<hbm>>
      tpu.wait_dma2 semaphore(%arg11 : memref<!tpu.dma_semaphore, #tpu.memory_space<semaphore_mem>>) src(%dma_wait3A_207 : memref<16x128xf32, #tpu.memory_space<hbm>>) dst(%dma_wait3A_204 : memref<16x128xf32, #tpu.memory_space<vmem_shared>>)
    } else {
    }
    %barrier3A = arith.constant 0 : index
    tpu.barrier barrier_id(%barrier3A)
    %add3A_18 = arith.constant 0 : i32
    %add3A_19 = arith.addi %mul3A_2, %add3A_18 : i32
    %dma_start3A_20 = arith.constant 0 : i32
    %dma_start3A_21 = arith.constant 0 : i32
    %dma_start3A_22 = arith.constant 0 : i32
    %dma_start3A_23 = arith.constant 0 : i32
    %dma_start3A_24 = tpu.memref_slice %arg7[%dma_start3A_20, %dma_start3A_22, %dma_start3A_23] : memref<4x80x128xf32, #tpu.memory_space<vmem>> -> memref<1x80x128xf32, #tpu.memory_space<vmem>>
    %dma_start3A_25 = tpu.memref_squeeze %dma_start3A_24 : memref<1x80x128xf32, #tpu.memory_space<vmem>> -> memref<80x128xf32, #tpu.memory_space<vmem>>
    %dma_start3A_26 = arith.constant 0 : i32
    %dma_start3A_27 = tpu.memref_slice %arg3[%add3A_19, %dma_start3A_26] : memref<320000x128xf32, #tpu.memory_space<hbm>> -> memref<80x128xf32, #tpu.memory_space<hbm>>
    %dma_start3A_28 = tpu.memref_slice %arg9[%dma_start3A_21] : memref<4x!tpu.dma_semaphore, #tpu.memory_space<semaphore_mem>> -> memref<1x!tpu.dma_semaphore, #tpu.memory_space<semaphore_mem>>
    %dma_start3A_29 = tpu.memref_squeeze %dma_start3A_28 : memref<1x!tpu.dma_semaphore, #tpu.memory_space<semaphore_mem>> -> memref<!tpu.dma_semaphore, #tpu.memory_space<semaphore_mem>>
    %dma_start3A_30 = arith.constant 0 : i32
    %dma_start3A_31 = arith.constant 0 : i32
    %dma_start3A_32 = tpu.memref_slice %arg7[%dma_start3A_20, %dma_start3A_30, %dma_start3A_31] : memref<4x80x128xf32, #tpu.memory_space<vmem>> -> memref<1x80x128xf32, #tpu.memory_space<vmem>>
    %dma_start3A_33 = tpu.memref_squeeze %dma_start3A_32 : memref<1x80x128xf32, #tpu.memory_space<vmem>> -> memref<80x128xf32, #tpu.memory_space<vmem>>
    %dma_start3A_34 = arith.constant 0 : i32
    %dma_start3A_35 = tpu.memref_slice %arg3[%add3A_19, %dma_start3A_34] : memref<320000x128xf32, #tpu.memory_space<hbm>> -> memref<80x128xf32, #tpu.memory_space<hbm>>
    tpu.enqueue_dma source(%dma_start3A_35 : memref<80x128xf32, #tpu.memory_space<hbm>>) target(%dma_start3A_33 : memref<80x128xf32, #tpu.memory_space<vmem>>) target_semaphore(%dma_start3A_29 : memref<!tpu.dma_semaphore, #tpu.memory_space<semaphore_mem>>)
    %dma_start3A_36 = arith.constant 0 : i32
    %dma_start3A_37 = arith.constant 0 : i32
    %dma_start3A_38 = arith.constant 0 : i32
    %dma_start3A_39 = arith.constant 0 : i32
    %dma_start3A_40 = tpu.memref_slice %arg6[%dma_start3A_37, %dma_start3A_39] : memref<4x80xi32, #tpu.memory_space<vmem>> -> memref<1x80xi32, #tpu.memory_space<vmem>>
    %dma_start3A_41 = tpu.memref_squeeze %dma_start3A_40 : memref<1x80xi32, #tpu.memory_space<vmem>> -> memref<80xi32, #tpu.memory_space<vmem>>
    %dma_start3A_42 = arith.constant 0 : i32
    %dma_start3A_43 = tpu.memref_slice %arg2[%add3A, %dma_start3A_36, %dma_start3A_42] : memref<32x125x80xi32, #tpu.memory_space<hbm>> -> memref<1x1x80xi32, #tpu.memory_space<hbm>>
    %dma_start3A_44 = tpu.memref_squeeze %dma_start3A_43 : memref<1x1x80xi32, #tpu.memory_space<hbm>> -> memref<80xi32, #tpu.memory_space<hbm>>
    %dma_start3A_45 = tpu.memref_slice %arg10[%dma_start3A_38] : memref<4x!tpu.dma_semaphore, #tpu.memory_space<semaphore_mem>> -> memref<1x!tpu.dma_semaphore, #tpu.memory_space<semaphore_mem>>
    %dma_start3A_46 = tpu.memref_squeeze %dma_start3A_45 : memref<1x!tpu.dma_semaphore, #tpu.memory_space<semaphore_mem>> -> memref<!tpu.dma_semaphore, #tpu.memory_space<semaphore_mem>>
    %dma_start3A_47 = arith.constant 0 : i32
    %dma_start3A_48 = tpu.memref_slice %arg6[%dma_start3A_37, %dma_start3A_47] : memref<4x80xi32, #tpu.memory_space<vmem>> -> memref<1x80xi32, #tpu.memory_space<vmem>>
    %dma_start3A_49 = tpu.memref_squeeze %dma_start3A_48 : memref<1x80xi32, #tpu.memory_space<vmem>> -> memref<80xi32, #tpu.memory_space<vmem>>
    %dma_start3A_50 = arith.constant 0 : i32
    %dma_start3A_51 = tpu.memref_slice %arg2[%add3A, %dma_start3A_36, %dma_start3A_50] : memref<32x125x80xi32, #tpu.memory_space<hbm>> -> memref<1x1x80xi32, #tpu.memory_space<hbm>>
    %dma_start3A_52 = tpu.memref_squeeze %dma_start3A_51 : memref<1x1x80xi32, #tpu.memory_space<hbm>> -> memref<80xi32, #tpu.memory_space<hbm>>
    tpu.enqueue_dma source(%dma_start3A_52 : memref<80xi32, #tpu.memory_space<hbm>>) target(%dma_start3A_49 : memref<80xi32, #tpu.memory_space<vmem>>) target_semaphore(%dma_start3A_46 : memref<!tpu.dma_semaphore, #tpu.memory_space<semaphore_mem>>)
    %add3A_53 = arith.constant 80 : i32
    %add3A_54 = arith.addi %mul3A_2, %add3A_53 : i32
    %dma_start3A_55 = arith.constant 1 : i32
    %dma_start3A_56 = arith.constant 1 : i32
    %dma_start3A_57 = arith.constant 0 : i32
    %dma_start3A_58 = arith.constant 0 : i32
    %dma_start3A_59 = tpu.memref_slice %arg7[%dma_start3A_55, %dma_start3A_57, %dma_start3A_58] : memref<4x80x128xf32, #tpu.memory_space<vmem>> -> memref<1x80x128xf32, #tpu.memory_space<vmem>>
    %dma_start3A_60 = tpu.memref_squeeze %dma_start3A_59 : memref<1x80x128xf32, #tpu.memory_space<vmem>> -> memref<80x128xf32, #tpu.memory_space<vmem>>
    %dma_start3A_61 = arith.constant 0 : i32
    %dma_start3A_62 = tpu.memref_slice %arg3[%add3A_54, %dma_start3A_61] : memref<320000x128xf32, #tpu.memory_space<hbm>> -> memref<80x128xf32, #tpu.memory_space<hbm>>
    %dma_start3A_63 = tpu.memref_slice %arg9[%dma_start3A_56] : memref<4x!tpu.dma_semaphore, #tpu.memory_space<semaphore_mem>> -> memref<1x!tpu.dma_semaphore, #tpu.memory_space<semaphore_mem>>
    %dma_start3A_64 = tpu.memref_squeeze %dma_start3A_63 : memref<1x!tpu.dma_semaphore, #tpu.memory_space<semaphore_mem>> -> memref<!tpu.dma_semaphore, #tpu.memory_space<semaphore_mem>>
    %dma_start3A_65 = arith.constant 0 : i32
    %dma_start3A_66 = arith.constant 0 : i32
    %dma_start3A_67 = tpu.memref_slice %arg7[%dma_start3A_55, %dma_start3A_65, %dma_start3A_66] : memref<4x80x128xf32, #tpu.memory_space<vmem>> -> memref<1x80x128xf32, #tpu.memory_space<vmem>>
    %dma_start3A_68 = tpu.memref_squeeze %dma_start3A_67 : memref<1x80x128xf32, #tpu.memory_space<vmem>> -> memref<80x128xf32, #tpu.memory_space<vmem>>
    %dma_start3A_69 = arith.constant 0 : i32
    %dma_start3A_70 = tpu.memref_slice %arg3[%add3A_54, %dma_start3A_69] : memref<320000x128xf32, #tpu.memory_space<hbm>> -> memref<80x128xf32, #tpu.memory_space<hbm>>
    tpu.enqueue_dma source(%dma_start3A_70 : memref<80x128xf32, #tpu.memory_space<hbm>>) target(%dma_start3A_68 : memref<80x128xf32, #tpu.memory_space<vmem>>) target_semaphore(%dma_start3A_64 : memref<!tpu.dma_semaphore, #tpu.memory_space<semaphore_mem>>)
    %dma_start3A_71 = arith.constant 1 : i32
    %dma_start3A_72 = arith.constant 1 : i32
    %dma_start3A_73 = arith.constant 1 : i32
    %dma_start3A_74 = arith.constant 0 : i32
    %dma_start3A_75 = tpu.memref_slice %arg6[%dma_start3A_72, %dma_start3A_74] : memref<4x80xi32, #tpu.memory_space<vmem>> -> memref<1x80xi32, #tpu.memory_space<vmem>>
    %dma_start3A_76 = tpu.memref_squeeze %dma_start3A_75 : memref<1x80xi32, #tpu.memory_space<vmem>> -> memref<80xi32, #tpu.memory_space<vmem>>
    %dma_start3A_77 = arith.constant 0 : i32
    %dma_start3A_78 = tpu.memref_slice %arg2[%add3A, %dma_start3A_71, %dma_start3A_77] : memref<32x125x80xi32, #tpu.memory_space<hbm>> -> memref<1x1x80xi32, #tpu.memory_space<hbm>>
    %dma_start3A_79 = tpu.memref_squeeze %dma_start3A_78 : memref<1x1x80xi32, #tpu.memory_space<hbm>> -> memref<80xi32, #tpu.memory_space<hbm>>
    %dma_start3A_80 = tpu.memref_slice %arg10[%dma_start3A_73] : memref<4x!tpu.dma_semaphore, #tpu.memory_space<semaphore_mem>> -> memref<1x!tpu.dma_semaphore, #tpu.memory_space<semaphore_mem>>
    %dma_start3A_81 = tpu.memref_squeeze %dma_start3A_80 : memref<1x!tpu.dma_semaphore, #tpu.memory_space<semaphore_mem>> -> memref<!tpu.dma_semaphore, #tpu.memory_space<semaphore_mem>>
    %dma_start3A_82 = arith.constant 0 : i32
    %dma_start3A_83 = tpu.memref_slice %arg6[%dma_start3A_72, %dma_start3A_82] : memref<4x80xi32, #tpu.memory_space<vmem>> -> memref<1x80xi32, #tpu.memory_space<vmem>>
    %dma_start3A_84 = tpu.memref_squeeze %dma_start3A_83 : memref<1x80xi32, #tpu.memory_space<vmem>> -> memref<80xi32, #tpu.memory_space<vmem>>
    %dma_start3A_85 = arith.constant 0 : i32
    %dma_start3A_86 = tpu.memref_slice %arg2[%add3A, %dma_start3A_71, %dma_start3A_85] : memref<32x125x80xi32, #tpu.memory_space<hbm>> -> memref<1x1x80xi32, #tpu.memory_space<hbm>>
    %dma_start3A_87 = tpu.memref_squeeze %dma_start3A_86 : memref<1x1x80xi32, #tpu.memory_space<hbm>> -> memref<80xi32, #tpu.memory_space<hbm>>
    tpu.enqueue_dma source(%dma_start3A_87 : memref<80xi32, #tpu.memory_space<hbm>>) target(%dma_start3A_84 : memref<80xi32, #tpu.memory_space<vmem>>) target_semaphore(%dma_start3A_81 : memref<!tpu.dma_semaphore, #tpu.memory_space<semaphore_mem>>)
    %add3A_88 = arith.constant 160 : i32
    %add3A_89 = arith.addi %mul3A_2, %add3A_88 : i32
    %dma_start3A_90 = arith.constant 2 : i32
    %dma_start3A_91 = arith.constant 2 : i32
    %dma_start3A_92 = arith.constant 0 : i32
    %dma_start3A_93 = arith.constant 0 : i32
    %dma_start3A_94 = tpu.memref_slice %arg7[%dma_start3A_90, %dma_start3A_92, %dma_start3A_93] : memref<4x80x128xf32, #tpu.memory_space<vmem>> -> memref<1x80x128xf32, #tpu.memory_space<vmem>>
    %dma_start3A_95 = tpu.memref_squeeze %dma_start3A_94 : memref<1x80x128xf32, #tpu.memory_space<vmem>> -> memref<80x128xf32, #tpu.memory_space<vmem>>
    %dma_start3A_96 = arith.constant 0 : i32
    %dma_start3A_97 = tpu.memref_slice %arg3[%add3A_89, %dma_start3A_96] : memref<320000x128xf32, #tpu.memory_space<hbm>> -> memref<80x128xf32, #tpu.memory_space<hbm>>
    %dma_start3A_98 = tpu.memref_slice %arg9[%dma_start3A_91] : memref<4x!tpu.dma_semaphore, #tpu.memory_space<semaphore_mem>> -> memref<1x!tpu.dma_semaphore, #tpu.memory_space<semaphore_mem>>
    %dma_start3A_99 = tpu.memref_squeeze %dma_start3A_98 : memref<1x!tpu.dma_semaphore, #tpu.memory_space<semaphore_mem>> -> memref<!tpu.dma_semaphore, #tpu.memory_space<semaphore_mem>>
    %dma_start3A_100 = arith.constant 0 : i32
    %dma_start3A_101 = arith.constant 0 : i32
    %dma_start3A_102 = tpu.memref_slice %arg7[%dma_start3A_90, %dma_start3A_100, %dma_start3A_101] : memref<4x80x128xf32, #tpu.memory_space<vmem>> -> memref<1x80x128xf32, #tpu.memory_space<vmem>>
    %dma_start3A_103 = tpu.memref_squeeze %dma_start3A_102 : memref<1x80x128xf32, #tpu.memory_space<vmem>> -> memref<80x128xf32, #tpu.memory_space<vmem>>
    %dma_start3A_104 = arith.constant 0 : i32
    %dma_start3A_105 = tpu.memref_slice %arg3[%add3A_89, %dma_start3A_104] : memref<320000x128xf32, #tpu.memory_space<hbm>> -> memref<80x128xf32, #tpu.memory_space<hbm>>
    tpu.enqueue_dma source(%dma_start3A_105 : memref<80x128xf32, #tpu.memory_space<hbm>>) target(%dma_start3A_103 : memref<80x128xf32, #tpu.memory_space<vmem>>) target_semaphore(%dma_start3A_99 : memref<!tpu.dma_semaphore, #tpu.memory_space<semaphore_mem>>)
    %dma_start3A_106 = arith.constant 2 : i32
    %dma_start3A_107 = arith.constant 2 : i32
    %dma_start3A_108 = arith.constant 2 : i32
    %dma_start3A_109 = arith.constant 0 : i32
    %dma_start3A_110 = tpu.memref_slice %arg6[%dma_start3A_107, %dma_start3A_109] : memref<4x80xi32, #tpu.memory_space<vmem>> -> memref<1x80xi32, #tpu.memory_space<vmem>>
    %dma_start3A_111 = tpu.memref_squeeze %dma_start3A_110 : memref<1x80xi32, #tpu.memory_space<vmem>> -> memref<80xi32, #tpu.memory_space<vmem>>
    %dma_start3A_112 = arith.constant 0 : i32
    %dma_start3A_113 = tpu.memref_slice %arg2[%add3A, %dma_start3A_106, %dma_start3A_112] : memref<32x125x80xi32, #tpu.memory_space<hbm>> -> memref<1x1x80xi32, #tpu.memory_space<hbm>>
    %dma_start3A_114 = tpu.memref_squeeze %dma_start3A_113 : memref<1x1x80xi32, #tpu.memory_space<hbm>> -> memref<80xi32, #tpu.memory_space<hbm>>
    %dma_start3A_115 = tpu.memref_slice %arg10[%dma_start3A_108] : memref<4x!tpu.dma_semaphore, #tpu.memory_space<semaphore_mem>> -> memref<1x!tpu.dma_semaphore, #tpu.memory_space<semaphore_mem>>
    %dma_start3A_116 = tpu.memref_squeeze %dma_start3A_115 : memref<1x!tpu.dma_semaphore, #tpu.memory_space<semaphore_mem>> -> memref<!tpu.dma_semaphore, #tpu.memory_space<semaphore_mem>>
    %dma_start3A_117 = arith.constant 0 : i32
    %dma_start3A_118 = tpu.memref_slice %arg6[%dma_start3A_107, %dma_start3A_117] : memref<4x80xi32, #tpu.memory_space<vmem>> -> memref<1x80xi32, #tpu.memory_space<vmem>>
    %dma_start3A_119 = tpu.memref_squeeze %dma_start3A_118 : memref<1x80xi32, #tpu.memory_space<vmem>> -> memref<80xi32, #tpu.memory_space<vmem>>
    %dma_start3A_120 = arith.constant 0 : i32
    %dma_start3A_121 = tpu.memref_slice %arg2[%add3A, %dma_start3A_106, %dma_start3A_120] : memref<32x125x80xi32, #tpu.memory_space<hbm>> -> memref<1x1x80xi32, #tpu.memory_space<hbm>>
    %dma_start3A_122 = tpu.memref_squeeze %dma_start3A_121 : memref<1x1x80xi32, #tpu.memory_space<hbm>> -> memref<80xi32, #tpu.memory_space<hbm>>
    tpu.enqueue_dma source(%dma_start3A_122 : memref<80xi32, #tpu.memory_space<hbm>>) target(%dma_start3A_119 : memref<80xi32, #tpu.memory_space<vmem>>) target_semaphore(%dma_start3A_116 : memref<!tpu.dma_semaphore, #tpu.memory_space<semaphore_mem>>)
    %add3A_123 = arith.constant 240 : i32
    %add3A_124 = arith.addi %mul3A_2, %add3A_123 : i32
    %dma_start3A_125 = arith.constant 3 : i32
    %dma_start3A_126 = arith.constant 3 : i32
    %dma_start3A_127 = arith.constant 0 : i32
    %dma_start3A_128 = arith.constant 0 : i32
    %dma_start3A_129 = tpu.memref_slice %arg7[%dma_start3A_125, %dma_start3A_127, %dma_start3A_128] : memref<4x80x128xf32, #tpu.memory_space<vmem>> -> memref<1x80x128xf32, #tpu.memory_space<vmem>>
    %dma_start3A_130 = tpu.memref_squeeze %dma_start3A_129 : memref<1x80x128xf32, #tpu.memory_space<vmem>> -> memref<80x128xf32, #tpu.memory_space<vmem>>
    %dma_start3A_131 = arith.constant 0 : i32
    %dma_start3A_132 = tpu.memref_slice %arg3[%add3A_124, %dma_start3A_131] : memref<320000x128xf32, #tpu.memory_space<hbm>> -> memref<80x128xf32, #tpu.memory_space<hbm>>
    %dma_start3A_133 = tpu.memref_slice %arg9[%dma_start3A_126] : memref<4x!tpu.dma_semaphore, #tpu.memory_space<semaphore_mem>> -> memref<1x!tpu.dma_semaphore, #tpu.memory_space<semaphore_mem>>
    %dma_start3A_134 = tpu.memref_squeeze %dma_start3A_133 : memref<1x!tpu.dma_semaphore, #tpu.memory_space<semaphore_mem>> -> memref<!tpu.dma_semaphore, #tpu.memory_space<semaphore_mem>>
    %dma_start3A_135 = arith.constant 0 : i32
    %dma_start3A_136 = arith.constant 0 : i32
    %dma_start3A_137 = tpu.memref_slice %arg7[%dma_start3A_125, %dma_start3A_135, %dma_start3A_136] : memref<4x80x128xf32, #tpu.memory_space<vmem>> -> memref<1x80x128xf32, #tpu.memory_space<vmem>>
    %dma_start3A_138 = tpu.memref_squeeze %dma_start3A_137 : memref<1x80x128xf32, #tpu.memory_space<vmem>> -> memref<80x128xf32, #tpu.memory_space<vmem>>
    %dma_start3A_139 = arith.constant 0 : i32
    %dma_start3A_140 = tpu.memref_slice %arg3[%add3A_124, %dma_start3A_139] : memref<320000x128xf32, #tpu.memory_space<hbm>> -> memref<80x128xf32, #tpu.memory_space<hbm>>
    tpu.enqueue_dma source(%dma_start3A_140 : memref<80x128xf32, #tpu.memory_space<hbm>>) target(%dma_start3A_138 : memref<80x128xf32, #tpu.memory_space<vmem>>) target_semaphore(%dma_start3A_134 : memref<!tpu.dma_semaphore, #tpu.memory_space<semaphore_mem>>)
    %dma_start3A_141 = arith.constant 3 : i32
    %dma_start3A_142 = arith.constant 3 : i32
    %dma_start3A_143 = arith.constant 3 : i32
    %dma_start3A_144 = arith.constant 0 : i32
    %dma_start3A_145 = tpu.memref_slice %arg6[%dma_start3A_142, %dma_start3A_144] : memref<4x80xi32, #tpu.memory_space<vmem>> -> memref<1x80xi32, #tpu.memory_space<vmem>>
    %dma_start3A_146 = tpu.memref_squeeze %dma_start3A_145 : memref<1x80xi32, #tpu.memory_space<vmem>> -> memref<80xi32, #tpu.memory_space<vmem>>
    %dma_start3A_147 = arith.constant 0 : i32
    %dma_start3A_148 = tpu.memref_slice %arg2[%add3A, %dma_start3A_141, %dma_start3A_147] : memref<32x125x80xi32, #tpu.memory_space<hbm>> -> memref<1x1x80xi32, #tpu.memory_space<hbm>>
    %dma_start3A_149 = tpu.memref_squeeze %dma_start3A_148 : memref<1x1x80xi32, #tpu.memory_space<hbm>> -> memref<80xi32, #tpu.memory_space<hbm>>
    %dma_start3A_150 = tpu.memref_slice %arg10[%dma_start3A_143] : memref<4x!tpu.dma_semaphore, #tpu.memory_space<semaphore_mem>> -> memref<1x!tpu.dma_semaphore, #tpu.memory_space<semaphore_mem>>
    %dma_start3A_151 = tpu.memref_squeeze %dma_start3A_150 : memref<1x!tpu.dma_semaphore, #tpu.memory_space<semaphore_mem>> -> memref<!tpu.dma_semaphore, #tpu.memory_space<semaphore_mem>>
    %dma_start3A_152 = arith.constant 0 : i32
    %dma_start3A_153 = tpu.memref_slice %arg6[%dma_start3A_142, %dma_start3A_152] : memref<4x80xi32, #tpu.memory_space<vmem>> -> memref<1x80xi32, #tpu.memory_space<vmem>>
    %dma_start3A_154 = tpu.memref_squeeze %dma_start3A_153 : memref<1x80xi32, #tpu.memory_space<vmem>> -> memref<80xi32, #tpu.memory_space<vmem>>
    %dma_start3A_155 = arith.constant 0 : i32
    %dma_start3A_156 = tpu.memref_slice %arg2[%add3A, %dma_start3A_141, %dma_start3A_155] : memref<32x125x80xi32, #tpu.memory_space<hbm>> -> memref<1x1x80xi32, #tpu.memory_space<hbm>>
    %dma_start3A_157 = tpu.memref_squeeze %dma_start3A_156 : memref<1x1x80xi32, #tpu.memory_space<hbm>> -> memref<80xi32, #tpu.memory_space<hbm>>
    tpu.enqueue_dma source(%dma_start3A_157 : memref<80xi32, #tpu.memory_space<hbm>>) target(%dma_start3A_154 : memref<80xi32, #tpu.memory_space<vmem>>) target_semaphore(%dma_start3A_151 : memref<!tpu.dma_semaphore, #tpu.memory_space<semaphore_mem>>)
    %scan3A = arith.constant 0 : i32
    %scan3A_158 = arith.constant 31 : i32
    %scan3A_159 = arith.addi %scan3A, %scan3A_158 : i32
    %scan3A_160 = arith.constant 1 : i32
    scf.for %scan3A_202 = %scan3A to %scan3A_159 step %scan3A_160  : i32 {
      %mul3A_203 = arith.constant 1 : i32
      %mul3A_204 = arith.muli %scan3A_202, %mul3A_203 : i32
      %add3A_205 = arith.constant 0 : i32
      %add3A_206 = arith.addi %add3A_205, %mul3A_204 : i32
      %mul3A_207 = arith.constant 4 : i32
      %mul3A_208 = arith.muli %add3A_206, %mul3A_207 : i32
      %add3A_209 = arith.constant 0 : i32
      %add3A_210 = arith.addi %mul3A_208, %add3A_209 : i32
      %dma_wait3A_211 = arith.constant 0 : i32
      %dma_wait3A_212 = arith.constant 0 : i32
      %dma_wait3A_213 = arith.constant 0 : i32
      %dma_wait3A_214 = arith.constant 0 : i32
      %dma_wait3A_215 = tpu.memref_slice %arg7[%dma_wait3A_211, %dma_wait3A_213, %dma_wait3A_214] : memref<4x80x128xf32, #tpu.memory_space<vmem>> -> memref<1x80x128xf32, #tpu.memory_space<vmem>>
      %dma_wait3A_216 = tpu.memref_squeeze %dma_wait3A_215 : memref<1x80x128xf32, #tpu.memory_space<vmem>> -> memref<80x128xf32, #tpu.memory_space<vmem>>
      %dma_wait3A_217 = arith.constant 0 : i32
      %dma_wait3A_218 = tpu.memref_slice %arg3[%mul3A_2, %dma_wait3A_217] : memref<320000x128xf32, #tpu.memory_space<hbm>> -> memref<80x128xf32, #tpu.memory_space<hbm>>
      %dma_wait3A_219 = tpu.memref_slice %arg9[%dma_wait3A_212] : memref<4x!tpu.dma_semaphore, #tpu.memory_space<semaphore_mem>> -> memref<1x!tpu.dma_semaphore, #tpu.memory_space<semaphore_mem>>
      %dma_wait3A_220 = tpu.memref_squeeze %dma_wait3A_219 : memref<1x!tpu.dma_semaphore, #tpu.memory_space<semaphore_mem>> -> memref<!tpu.dma_semaphore, #tpu.memory_space<semaphore_mem>>
      %dma_wait3A_221 = arith.constant 0 : i32
      %dma_wait3A_222 = arith.constant 0 : i32
      %dma_wait3A_223 = tpu.memref_slice %arg7[%dma_wait3A_211, %dma_wait3A_221, %dma_wait3A_222] : memref<4x80x128xf32, #tpu.memory_space<vmem>> -> memref<1x80x128xf32, #tpu.memory_space<vmem>>
      %dma_wait3A_224 = tpu.memref_squeeze %dma_wait3A_223 : memref<1x80x128xf32, #tpu.memory_space<vmem>> -> memref<80x128xf32, #tpu.memory_space<vmem>>
      %dma_wait3A_225 = arith.constant 0 : i32
      %dma_wait3A_226 = tpu.memref_slice %arg3[%mul3A_2, %dma_wait3A_225] : memref<320000x128xf32, #tpu.memory_space<hbm>> -> memref<80x128xf32, #tpu.memory_space<hbm>>
      tpu.wait_dma2 semaphore(%dma_wait3A_220 : memref<!tpu.dma_semaphore, #tpu.memory_space<semaphore_mem>>) src(%dma_wait3A_226 : memref<80x128xf32, #tpu.memory_space<hbm>>) dst(%dma_wait3A_224 : memref<80x128xf32, #tpu.memory_space<vmem>>)
      %dma_wait3A_227 = arith.constant 0 : i32
      %dma_wait3A_228 = arith.constant 0 : i32
      %dma_wait3A_229 = arith.constant 0 : i32
      %dma_wait3A_230 = arith.constant 0 : i32
      %dma_wait3A_231 = tpu.memref_slice %arg6[%dma_wait3A_228, %dma_wait3A_230] : memref<4x80xi32, #tpu.memory_space<vmem>> -> memref<1x80xi32, #tpu.memory_space<vmem>>
      %dma_wait3A_232 = tpu.memref_squeeze %dma_wait3A_231 : memref<1x80xi32, #tpu.memory_space<vmem>> -> memref<80xi32, #tpu.memory_space<vmem>>
      %dma_wait3A_233 = arith.constant 0 : i32
      %dma_wait3A_234 = tpu.memref_slice %arg2[%add3A, %dma_wait3A_227, %dma_wait3A_233] : memref<32x125x80xi32, #tpu.memory_space<hbm>> -> memref<1x1x80xi32, #tpu.memory_space<hbm>>
      %dma_wait3A_235 = tpu.memref_squeeze %dma_wait3A_234 : memref<1x1x80xi32, #tpu.memory_space<hbm>> -> memref<80xi32, #tpu.memory_space<hbm>>
      %dma_wait3A_236 = tpu.memref_slice %arg10[%dma_wait3A_229] : memref<4x!tpu.dma_semaphore, #tpu.memory_space<semaphore_mem>> -> memref<1x!tpu.dma_semaphore, #tpu.memory_space<semaphore_mem>>
      %dma_wait3A_237 = tpu.memref_squeeze %dma_wait3A_236 : memref<1x!tpu.dma_semaphore, #tpu.memory_space<semaphore_mem>> -> memref<!tpu.dma_semaphore, #tpu.memory_space<semaphore_mem>>
      %dma_wait3A_238 = arith.constant 0 : i32
      %dma_wait3A_239 = tpu.memref_slice %arg6[%dma_wait3A_228, %dma_wait3A_238] : memref<4x80xi32, #tpu.memory_space<vmem>> -> memref<1x80xi32, #tpu.memory_space<vmem>>
      %dma_wait3A_240 = tpu.memref_squeeze %dma_wait3A_239 : memref<1x80xi32, #tpu.memory_space<vmem>> -> memref<80xi32, #tpu.memory_space<vmem>>
      %dma_wait3A_241 = arith.constant 0 : i32
      %dma_wait3A_242 = tpu.memref_slice %arg2[%add3A, %dma_wait3A_227, %dma_wait3A_241] : memref<32x125x80xi32, #tpu.memory_space<hbm>> -> memref<1x1x80xi32, #tpu.memory_space<hbm>>
      %dma_wait3A_243 = tpu.memref_squeeze %dma_wait3A_242 : memref<1x1x80xi32, #tpu.memory_space<hbm>> -> memref<80xi32, #tpu.memory_space<hbm>>
      tpu.wait_dma2 semaphore(%dma_wait3A_237 : memref<!tpu.dma_semaphore, #tpu.memory_space<semaphore_mem>>) src(%dma_wait3A_243 : memref<80xi32, #tpu.memory_space<hbm>>) dst(%dma_wait3A_240 : memref<80xi32, #tpu.memory_space<vmem>>)
      %run_scoped3A_244 = arith.constant 0 : i32
      %run_scoped3A_245 = arith.constant 0 : i32
      "tpu.region"() ({
        %run_scoped3A_390 = tpu.sem_alloc : memref<!tpu.dma_semaphore, #tpu.memory_space<semaphore_mem>>
        %dma_start3A_391 = arith.constant 0 : i32
        %dma_start3A_392 = arith.constant 0 : i32
        %dma_start3A_393 = tpu.memref_slice %arg7[%run_scoped3A_244, %dma_start3A_391, %dma_start3A_392] : memref<4x80x128xf32, #tpu.memory_space<vmem>> -> memref<1x80x128xf32, #tpu.memory_space<vmem>>
        %dma_start3A_394 = tpu.memref_squeeze %dma_start3A_393 : memref<1x80x128xf32, #tpu.memory_space<vmem>> -> memref<80x128xf32, #tpu.memory_space<vmem>>
        %dma_start3A_395 = arith.constant 0 : i32
        %dma_start3A_396 = tpu.memref_slice %arg6[%run_scoped3A_245, %dma_start3A_395] : memref<4x80xi32, #tpu.memory_space<vmem>> -> memref<1x80xi32, #tpu.memory_space<vmem>>
        %dma_start3A_397 = tpu.memref_squeeze %dma_start3A_396 : memref<1x80xi32, #tpu.memory_space<vmem>> -> memref<80xi32, #tpu.memory_space<vmem>>
        %dma_start3A_398 = arith.constant 0 : i32
        %dma_start3A_399 = arith.constant 0 : i32
        %dma_start3A_400 = tpu.memref_slice %arg8[%dma_start3A_398, %dma_start3A_399] : memref<10008x128xf32, #tpu.memory_space<vmem_shared>> -> memref<10008x128xf32, #tpu.memory_space<vmem_shared>>
        tpu.enqueue_indirect_dma source(%dma_start3A_394 : memref<80x128xf32, #tpu.memory_space<vmem>>) target(%dma_start3A_400 : memref<10008x128xf32, #tpu.memory_space<vmem_shared>>) offsets(%dma_start3A_397 : memref<80xi32, #tpu.memory_space<vmem>>) semaphore(%run_scoped3A_390 : memref<!tpu.dma_semaphore, #tpu.memory_space<semaphore_mem>>) {add = true}
        %dma_wait3A_401 = arith.constant 0 : i32
        %dma_wait3A_402 = arith.constant 0 : i32
        %dma_wait3A_403 = tpu.memref_slice %arg7[%run_scoped3A_244, %dma_wait3A_401, %dma_wait3A_402] : memref<4x80x128xf32, #tpu.memory_space<vmem>> -> memref<1x80x128xf32, #tpu.memory_space<vmem>>
        %dma_wait3A_404 = tpu.memref_squeeze %dma_wait3A_403 : memref<1x80x128xf32, #tpu.memory_space<vmem>> -> memref<80x128xf32, #tpu.memory_space<vmem>>
        %dma_wait3A_405 = arith.constant 0 : i32
        %dma_wait3A_406 = tpu.memref_slice %arg6[%run_scoped3A_245, %dma_wait3A_405] : memref<4x80xi32, #tpu.memory_space<vmem>> -> memref<1x80xi32, #tpu.memory_space<vmem>>
        %dma_wait3A_407 = tpu.memref_squeeze %dma_wait3A_406 : memref<1x80xi32, #tpu.memory_space<vmem>> -> memref<80xi32, #tpu.memory_space<vmem>>
        %dma_wait3A_408 = arith.constant 0 : i32
        %dma_wait3A_409 = arith.constant 0 : i32
        %dma_wait3A_410 = tpu.memref_slice %arg8[%dma_wait3A_408, %dma_wait3A_409] : memref<10008x128xf32, #tpu.memory_space<vmem_shared>> -> memref<10008x128xf32, #tpu.memory_space<vmem_shared>>
        tpu.wait_indirect_dma semaphore(%run_scoped3A_390 : memref<!tpu.dma_semaphore, #tpu.memory_space<semaphore_mem>>) src(%dma_wait3A_404 : memref<80x128xf32, #tpu.memory_space<vmem>>) dst(%dma_wait3A_410 : memref<10008x128xf32, #tpu.memory_space<vmem_shared>>)
        tpu.yield
      }) : () -> ()
      %add3A_246 = arith.constant 4 : i32
      %add3A_247 = arith.addi %add3A_210, %add3A_246 : i32
      %lt3A = arith.constant 125 : i32
      %lt3A_248 = arith.cmpi slt, %add3A_247, %lt3A : i32
      %convert_element_type3A_249 = arith.extui %lt3A_248 : i1 to i32
      %cond3A_250 = arith.constant 0 : i32
      %cond3A_251 = arith.cmpi ne, %convert_element_type3A_249, %cond3A_250 : i32
      scf.if %cond3A_251 {
        %add3A_390 = arith.constant 4 : i32
        %add3A_391 = arith.addi %add3A_210, %add3A_390 : i32
        %mul3A_392 = arith.constant 80 : i32
        %mul3A_393 = arith.muli %add3A_391, %mul3A_392 : i32
        %add3A_394 = arith.addi %mul3A_2, %mul3A_393 : i32
        %dma_start3A_395 = arith.constant 0 : i32
        %dma_start3A_396 = arith.constant 0 : i32
        %dma_start3A_397 = arith.constant 0 : i32
        %dma_start3A_398 = arith.constant 0 : i32
        %dma_start3A_399 = tpu.memref_slice %arg7[%dma_start3A_395, %dma_start3A_397, %dma_start3A_398] : memref<4x80x128xf32, #tpu.memory_space<vmem>> -> memref<1x80x128xf32, #tpu.memory_space<vmem>>
        %dma_start3A_400 = tpu.memref_squeeze %dma_start3A_399 : memref<1x80x128xf32, #tpu.memory_space<vmem>> -> memref<80x128xf32, #tpu.memory_space<vmem>>
        %dma_start3A_401 = arith.constant 0 : i32
        %dma_start3A_402 = tpu.memref_slice %arg3[%add3A_394, %dma_start3A_401] : memref<320000x128xf32, #tpu.memory_space<hbm>> -> memref<80x128xf32, #tpu.memory_space<hbm>>
        %dma_start3A_403 = tpu.memref_slice %arg9[%dma_start3A_396] : memref<4x!tpu.dma_semaphore, #tpu.memory_space<semaphore_mem>> -> memref<1x!tpu.dma_semaphore, #tpu.memory_space<semaphore_mem>>
        %dma_start3A_404 = tpu.memref_squeeze %dma_start3A_403 : memref<1x!tpu.dma_semaphore, #tpu.memory_space<semaphore_mem>> -> memref<!tpu.dma_semaphore, #tpu.memory_space<semaphore_mem>>
        %dma_start3A_405 = arith.constant 0 : i32
        %dma_start3A_406 = arith.constant 0 : i32
        %dma_start3A_407 = tpu.memref_slice %arg7[%dma_start3A_395, %dma_start3A_405, %dma_start3A_406] : memref<4x80x128xf32, #tpu.memory_space<vmem>> -> memref<1x80x128xf32, #tpu.memory_space<vmem>>
        %dma_start3A_408 = tpu.memref_squeeze %dma_start3A_407 : memref<1x80x128xf32, #tpu.memory_space<vmem>> -> memref<80x128xf32, #tpu.memory_space<vmem>>
        %dma_start3A_409 = arith.constant 0 : i32
        %dma_start3A_410 = tpu.memref_slice %arg3[%add3A_394, %dma_start3A_409] : memref<320000x128xf32, #tpu.memory_space<hbm>> -> memref<80x128xf32, #tpu.memory_space<hbm>>
        tpu.enqueue_dma source(%dma_start3A_410 : memref<80x128xf32, #tpu.memory_space<hbm>>) target(%dma_start3A_408 : memref<80x128xf32, #tpu.memory_space<vmem>>) target_semaphore(%dma_start3A_404 : memref<!tpu.dma_semaphore, #tpu.memory_space<semaphore_mem>>)
        %dma_start3A_411 = arith.constant 0 : i32
        %dma_start3A_412 = arith.constant 0 : i32
        %dma_start3A_413 = arith.constant 0 : i32
        %dma_start3A_414 = tpu.memref_slice %arg6[%dma_start3A_411, %dma_start3A_413] : memref<4x80xi32, #tpu.memory_space<vmem>> -> memref<1x80xi32, #tpu.memory_space<vmem>>
        %dma_start3A_415 = tpu.memref_squeeze %dma_start3A_414 : memref<1x80xi32, #tpu.memory_space<vmem>> -> memref<80xi32, #tpu.memory_space<vmem>>
        %dma_start3A_416 = arith.constant 0 : i32
        %dma_start3A_417 = tpu.memref_slice %arg2[%add3A, %add3A_391, %dma_start3A_416] : memref<32x125x80xi32, #tpu.memory_space<hbm>> -> memref<1x1x80xi32, #tpu.memory_space<hbm>>
        %dma_start3A_418 = tpu.memref_squeeze %dma_start3A_417 : memref<1x1x80xi32, #tpu.memory_space<hbm>> -> memref<80xi32, #tpu.memory_space<hbm>>
        %dma_start3A_419 = tpu.memref_slice %arg10[%dma_start3A_412] : memref<4x!tpu.dma_semaphore, #tpu.memory_space<semaphore_mem>> -> memref<1x!tpu.dma_semaphore, #tpu.memory_space<semaphore_mem>>
        %dma_start3A_420 = tpu.memref_squeeze %dma_start3A_419 : memref<1x!tpu.dma_semaphore, #tpu.memory_space<semaphore_mem>> -> memref<!tpu.dma_semaphore, #tpu.memory_space<semaphore_mem>>
        %dma_start3A_421 = arith.constant 0 : i32
        %dma_start3A_422 = tpu.memref_slice %arg6[%dma_start3A_411, %dma_start3A_421] : memref<4x80xi32, #tpu.memory_space<vmem>> -> memref<1x80xi32, #tpu.memory_space<vmem>>
        %dma_start3A_423 = tpu.memref_squeeze %dma_start3A_422 : memref<1x80xi32, #tpu.memory_space<vmem>> -> memref<80xi32, #tpu.memory_space<vmem>>
        %dma_start3A_424 = arith.constant 0 : i32
        %dma_start3A_425 = tpu.memref_slice %arg2[%add3A, %add3A_391, %dma_start3A_424] : memref<32x125x80xi32, #tpu.memory_space<hbm>> -> memref<1x1x80xi32, #tpu.memory_space<hbm>>
        %dma_start3A_426 = tpu.memref_squeeze %dma_start3A_425 : memref<1x1x80xi32, #tpu.memory_space<hbm>> -> memref<80xi32, #tpu.memory_space<hbm>>
        tpu.enqueue_dma source(%dma_start3A_426 : memref<80xi32, #tpu.memory_space<hbm>>) target(%dma_start3A_423 : memref<80xi32, #tpu.memory_space<vmem>>) target_semaphore(%dma_start3A_420 : memref<!tpu.dma_semaphore, #tpu.memory_space<semaphore_mem>>)
      } else {
      }
      %mul3A_252 = arith.constant 4 : i32
      %mul3A_253 = arith.muli %add3A_206, %mul3A_252 : i32
      %add3A_254 = arith.constant 1 : i32
      %add3A_255 = arith.addi %mul3A_253, %add3A_254 : i32
      %dma_wait3A_256 = arith.constant 1 : i32
      %dma_wait3A_257 = arith.constant 1 : i32
      %dma_wait3A_258 = arith.constant 0 : i32
      %dma_wait3A_259 = arith.constant 0 : i32
      %dma_wait3A_260 = tpu.memref_slice %arg7[%dma_wait3A_256, %dma_wait3A_258, %dma_wait3A_259] : memref<4x80x128xf32, #tpu.memory_space<vmem>> -> memref<1x80x128xf32, #tpu.memory_space<vmem>>
      %dma_wait3A_261 = tpu.memref_squeeze %dma_wait3A_260 : memref<1x80x128xf32, #tpu.memory_space<vmem>> -> memref<80x128xf32, #tpu.memory_space<vmem>>
      %dma_wait3A_262 = arith.constant 0 : i32
      %dma_wait3A_263 = tpu.memref_slice %arg3[%mul3A_2, %dma_wait3A_262] : memref<320000x128xf32, #tpu.memory_space<hbm>> -> memref<80x128xf32, #tpu.memory_space<hbm>>
      %dma_wait3A_264 = tpu.memref_slice %arg9[%dma_wait3A_257] : memref<4x!tpu.dma_semaphore, #tpu.memory_space<semaphore_mem>> -> memref<1x!tpu.dma_semaphore, #tpu.memory_space<semaphore_mem>>
      %dma_wait3A_265 = tpu.memref_squeeze %dma_wait3A_264 : memref<1x!tpu.dma_semaphore, #tpu.memory_space<semaphore_mem>> -> memref<!tpu.dma_semaphore, #tpu.memory_space<semaphore_mem>>
      %dma_wait3A_266 = arith.constant 0 : i32
      %dma_wait3A_267 = arith.constant 0 : i32
      %dma_wait3A_268 = tpu.memref_slice %arg7[%dma_wait3A_256, %dma_wait3A_266, %dma_wait3A_267] : memref<4x80x128xf32, #tpu.memory_space<vmem>> -> memref<1x80x128xf32, #tpu.memory_space<vmem>>
      %dma_wait3A_269 = tpu.memref_squeeze %dma_wait3A_268 : memref<1x80x128xf32, #tpu.memory_space<vmem>> -> memref<80x128xf32, #tpu.memory_space<vmem>>
      %dma_wait3A_270 = arith.constant 0 : i32
      %dma_wait3A_271 = tpu.memref_slice %arg3[%mul3A_2, %dma_wait3A_270] : memref<320000x128xf32, #tpu.memory_space<hbm>> -> memref<80x128xf32, #tpu.memory_space<hbm>>
      tpu.wait_dma2 semaphore(%dma_wait3A_265 : memref<!tpu.dma_semaphore, #tpu.memory_space<semaphore_mem>>) src(%dma_wait3A_271 : memref<80x128xf32, #tpu.memory_space<hbm>>) dst(%dma_wait3A_269 : memref<80x128xf32, #tpu.memory_space<vmem>>)
      %dma_wait3A_272 = arith.constant 0 : i32
      %dma_wait3A_273 = arith.constant 1 : i32
      %dma_wait3A_274 = arith.constant 1 : i32
      %dma_wait3A_275 = arith.constant 0 : i32
      %dma_wait3A_276 = tpu.memref_slice %arg6[%dma_wait3A_273, %dma_wait3A_275] : memref<4x80xi32, #tpu.memory_space<vmem>> -> memref<1x80xi32, #tpu.memory_space<vmem>>
      %dma_wait3A_277 = tpu.memref_squeeze %dma_wait3A_276 : memref<1x80xi32, #tpu.memory_space<vmem>> -> memref<80xi32, #tpu.memory_space<vmem>>
      %dma_wait3A_278 = arith.constant 0 : i32
      %dma_wait3A_279 = tpu.memref_slice %arg2[%add3A, %dma_wait3A_272, %dma_wait3A_278] : memref<32x125x80xi32, #tpu.memory_space<hbm>> -> memref<1x1x80xi32, #tpu.memory_space<hbm>>
      %dma_wait3A_280 = tpu.memref_squeeze %dma_wait3A_279 : memref<1x1x80xi32, #tpu.memory_space<hbm>> -> memref<80xi32, #tpu.memory_space<hbm>>
      %dma_wait3A_281 = tpu.memref_slice %arg10[%dma_wait3A_274] : memref<4x!tpu.dma_semaphore, #tpu.memory_space<semaphore_mem>> -> memref<1x!tpu.dma_semaphore, #tpu.memory_space<semaphore_mem>>
      %dma_wait3A_282 = tpu.memref_squeeze %dma_wait3A_281 : memref<1x!tpu.dma_semaphore, #tpu.memory_space<semaphore_mem>> -> memref<!tpu.dma_semaphore, #tpu.memory_space<semaphore_mem>>
      %dma_wait3A_283 = arith.constant 0 : i32
      %dma_wait3A_284 = tpu.memref_slice %arg6[%dma_wait3A_273, %dma_wait3A_283] : memref<4x80xi32, #tpu.memory_space<vmem>> -> memref<1x80xi32, #tpu.memory_space<vmem>>
      %dma_wait3A_285 = tpu.memref_squeeze %dma_wait3A_284 : memref<1x80xi32, #tpu.memory_space<vmem>> -> memref<80xi32, #tpu.memory_space<vmem>>
      %dma_wait3A_286 = arith.constant 0 : i32
      %dma_wait3A_287 = tpu.memref_slice %arg2[%add3A, %dma_wait3A_272, %dma_wait3A_286] : memref<32x125x80xi32, #tpu.memory_space<hbm>> -> memref<1x1x80xi32, #tpu.memory_space<hbm>>
      %dma_wait3A_288 = tpu.memref_squeeze %dma_wait3A_287 : memref<1x1x80xi32, #tpu.memory_space<hbm>> -> memref<80xi32, #tpu.memory_space<hbm>>
      tpu.wait_dma2 semaphore(%dma_wait3A_282 : memref<!tpu.dma_semaphore, #tpu.memory_space<semaphore_mem>>) src(%dma_wait3A_288 : memref<80xi32, #tpu.memory_space<hbm>>) dst(%dma_wait3A_285 : memref<80xi32, #tpu.memory_space<vmem>>)
      %run_scoped3A_289 = arith.constant 1 : i32
      %run_scoped3A_290 = arith.constant 1 : i32
      "tpu.region"() ({
        %run_scoped3A_390 = tpu.sem_alloc : memref<!tpu.dma_semaphore, #tpu.memory_space<semaphore_mem>>
        %dma_start3A_391 = arith.constant 0 : i32
        %dma_start3A_392 = arith.constant 0 : i32
        %dma_start3A_393 = tpu.memref_slice %arg7[%run_scoped3A_289, %dma_start3A_391, %dma_start3A_392] : memref<4x80x128xf32, #tpu.memory_space<vmem>> -> memref<1x80x128xf32, #tpu.memory_space<vmem>>
        %dma_start3A_394 = tpu.memref_squeeze %dma_start3A_393 : memref<1x80x128xf32, #tpu.memory_space<vmem>> -> memref<80x128xf32, #tpu.memory_space<vmem>>
        %dma_start3A_395 = arith.constant 0 : i32
        %dma_start3A_396 = tpu.memref_slice %arg6[%run_scoped3A_290, %dma_start3A_395] : memref<4x80xi32, #tpu.memory_space<vmem>> -> memref<1x80xi32, #tpu.memory_space<vmem>>
        %dma_start3A_397 = tpu.memref_squeeze %dma_start3A_396 : memref<1x80xi32, #tpu.memory_space<vmem>> -> memref<80xi32, #tpu.memory_space<vmem>>
        %dma_start3A_398 = arith.constant 0 : i32
        %dma_start3A_399 = arith.constant 0 : i32
        %dma_start3A_400 = tpu.memref_slice %arg8[%dma_start3A_398, %dma_start3A_399] : memref<10008x128xf32, #tpu.memory_space<vmem_shared>> -> memref<10008x128xf32, #tpu.memory_space<vmem_shared>>
        tpu.enqueue_indirect_dma source(%dma_start3A_394 : memref<80x128xf32, #tpu.memory_space<vmem>>) target(%dma_start3A_400 : memref<10008x128xf32, #tpu.memory_space<vmem_shared>>) offsets(%dma_start3A_397 : memref<80xi32, #tpu.memory_space<vmem>>) semaphore(%run_scoped3A_390 : memref<!tpu.dma_semaphore, #tpu.memory_space<semaphore_mem>>) {add = true}
        %dma_wait3A_401 = arith.constant 0 : i32
        %dma_wait3A_402 = arith.constant 0 : i32
        %dma_wait3A_403 = tpu.memref_slice %arg7[%run_scoped3A_289, %dma_wait3A_401, %dma_wait3A_402] : memref<4x80x128xf32, #tpu.memory_space<vmem>> -> memref<1x80x128xf32, #tpu.memory_space<vmem>>
        %dma_wait3A_404 = tpu.memref_squeeze %dma_wait3A_403 : memref<1x80x128xf32, #tpu.memory_space<vmem>> -> memref<80x128xf32, #tpu.memory_space<vmem>>
        %dma_wait3A_405 = arith.constant 0 : i32
        %dma_wait3A_406 = tpu.memref_slice %arg6[%run_scoped3A_290, %dma_wait3A_405] : memref<4x80xi32, #tpu.memory_space<vmem>> -> memref<1x80xi32, #tpu.memory_space<vmem>>
        %dma_wait3A_407 = tpu.memref_squeeze %dma_wait3A_406 : memref<1x80xi32, #tpu.memory_space<vmem>> -> memref<80xi32, #tpu.memory_space<vmem>>
        %dma_wait3A_408 = arith.constant 0 : i32
        %dma_wait3A_409 = arith.constant 0 : i32
        %dma_wait3A_410 = tpu.memref_slice %arg8[%dma_wait3A_408, %dma_wait3A_409] : memref<10008x128xf32, #tpu.memory_space<vmem_shared>> -> memref<10008x128xf32, #tpu.memory_space<vmem_shared>>
        tpu.wait_indirect_dma semaphore(%run_scoped3A_390 : memref<!tpu.dma_semaphore, #tpu.memory_space<semaphore_mem>>) src(%dma_wait3A_404 : memref<80x128xf32, #tpu.memory_space<vmem>>) dst(%dma_wait3A_410 : memref<10008x128xf32, #tpu.memory_space<vmem_shared>>)
        tpu.yield
      }) : () -> ()
      %add3A_291 = arith.constant 4 : i32
      %add3A_292 = arith.addi %add3A_255, %add3A_291 : i32
      %lt3A_293 = arith.constant 125 : i32
      %lt3A_294 = arith.cmpi slt, %add3A_292, %lt3A_293 : i32
      %convert_element_type3A_295 = arith.extui %lt3A_294 : i1 to i32
      %cond3A_296 = arith.constant 0 : i32
      %cond3A_297 = arith.cmpi ne, %convert_element_type3A_295, %cond3A_296 : i32
      scf.if %cond3A_297 {
        %add3A_390 = arith.constant 4 : i32
        %add3A_391 = arith.addi %add3A_255, %add3A_390 : i32
        %mul3A_392 = arith.constant 80 : i32
        %mul3A_393 = arith.muli %add3A_391, %mul3A_392 : i32
        %add3A_394 = arith.addi %mul3A_2, %mul3A_393 : i32
        %dma_start3A_395 = arith.constant 1 : i32
        %dma_start3A_396 = arith.constant 1 : i32
        %dma_start3A_397 = arith.constant 0 : i32
        %dma_start3A_398 = arith.constant 0 : i32
        %dma_start3A_399 = tpu.memref_slice %arg7[%dma_start3A_395, %dma_start3A_397, %dma_start3A_398] : memref<4x80x128xf32, #tpu.memory_space<vmem>> -> memref<1x80x128xf32, #tpu.memory_space<vmem>>
        %dma_start3A_400 = tpu.memref_squeeze %dma_start3A_399 : memref<1x80x128xf32, #tpu.memory_space<vmem>> -> memref<80x128xf32, #tpu.memory_space<vmem>>
        %dma_start3A_401 = arith.constant 0 : i32
        %dma_start3A_402 = tpu.memref_slice %arg3[%add3A_394, %dma_start3A_401] : memref<320000x128xf32, #tpu.memory_space<hbm>> -> memref<80x128xf32, #tpu.memory_space<hbm>>
        %dma_start3A_403 = tpu.memref_slice %arg9[%dma_start3A_396] : memref<4x!tpu.dma_semaphore, #tpu.memory_space<semaphore_mem>> -> memref<1x!tpu.dma_semaphore, #tpu.memory_space<semaphore_mem>>
        %dma_start3A_404 = tpu.memref_squeeze %dma_start3A_403 : memref<1x!tpu.dma_semaphore, #tpu.memory_space<semaphore_mem>> -> memref<!tpu.dma_semaphore, #tpu.memory_space<semaphore_mem>>
        %dma_start3A_405 = arith.constant 0 : i32
        %dma_start3A_406 = arith.constant 0 : i32
        %dma_start3A_407 = tpu.memref_slice %arg7[%dma_start3A_395, %dma_start3A_405, %dma_start3A_406] : memref<4x80x128xf32, #tpu.memory_space<vmem>> -> memref<1x80x128xf32, #tpu.memory_space<vmem>>
        %dma_start3A_408 = tpu.memref_squeeze %dma_start3A_407 : memref<1x80x128xf32, #tpu.memory_space<vmem>> -> memref<80x128xf32, #tpu.memory_space<vmem>>
        %dma_start3A_409 = arith.constant 0 : i32
        %dma_start3A_410 = tpu.memref_slice %arg3[%add3A_394, %dma_start3A_409] : memref<320000x128xf32, #tpu.memory_space<hbm>> -> memref<80x128xf32, #tpu.memory_space<hbm>>
        tpu.enqueue_dma source(%dma_start3A_410 : memref<80x128xf32, #tpu.memory_space<hbm>>) target(%dma_start3A_408 : memref<80x128xf32, #tpu.memory_space<vmem>>) target_semaphore(%dma_start3A_404 : memref<!tpu.dma_semaphore, #tpu.memory_space<semaphore_mem>>)
        %dma_start3A_411 = arith.constant 1 : i32
        %dma_start3A_412 = arith.constant 1 : i32
        %dma_start3A_413 = arith.constant 0 : i32
        %dma_start3A_414 = tpu.memref_slice %arg6[%dma_start3A_411, %dma_start3A_413] : memref<4x80xi32, #tpu.memory_space<vmem>> -> memref<1x80xi32, #tpu.memory_space<vmem>>
        %dma_start3A_415 = tpu.memref_squeeze %dma_start3A_414 : memref<1x80xi32, #tpu.memory_space<vmem>> -> memref<80xi32, #tpu.memory_space<vmem>>
        %dma_start3A_416 = arith.constant 0 : i32
        %dma_start3A_417 = tpu.memref_slice %arg2[%add3A, %add3A_391, %dma_start3A_416] : memref<32x125x80xi32, #tpu.memory_space<hbm>> -> memref<1x1x80xi32, #tpu.memory_space<hbm>>
        %dma_start3A_418 = tpu.memref_squeeze %dma_start3A_417 : memref<1x1x80xi32, #tpu.memory_space<hbm>> -> memref<80xi32, #tpu.memory_space<hbm>>
        %dma_start3A_419 = tpu.memref_slice %arg10[%dma_start3A_412] : memref<4x!tpu.dma_semaphore, #tpu.memory_space<semaphore_mem>> -> memref<1x!tpu.dma_semaphore, #tpu.memory_space<semaphore_mem>>
        %dma_start3A_420 = tpu.memref_squeeze %dma_start3A_419 : memref<1x!tpu.dma_semaphore, #tpu.memory_space<semaphore_mem>> -> memref<!tpu.dma_semaphore, #tpu.memory_space<semaphore_mem>>
        %dma_start3A_421 = arith.constant 0 : i32
        %dma_start3A_422 = tpu.memref_slice %arg6[%dma_start3A_411, %dma_start3A_421] : memref<4x80xi32, #tpu.memory_space<vmem>> -> memref<1x80xi32, #tpu.memory_space<vmem>>
        %dma_start3A_423 = tpu.memref_squeeze %dma_start3A_422 : memref<1x80xi32, #tpu.memory_space<vmem>> -> memref<80xi32, #tpu.memory_space<vmem>>
        %dma_start3A_424 = arith.constant 0 : i32
        %dma_start3A_425 = tpu.memref_slice %arg2[%add3A, %add3A_391, %dma_start3A_424] : memref<32x125x80xi32, #tpu.memory_space<hbm>> -> memref<1x1x80xi32, #tpu.memory_space<hbm>>
        %dma_start3A_426 = tpu.memref_squeeze %dma_start3A_425 : memref<1x1x80xi32, #tpu.memory_space<hbm>> -> memref<80xi32, #tpu.memory_space<hbm>>
        tpu.enqueue_dma source(%dma_start3A_426 : memref<80xi32, #tpu.memory_space<hbm>>) target(%dma_start3A_423 : memref<80xi32, #tpu.memory_space<vmem>>) target_semaphore(%dma_start3A_420 : memref<!tpu.dma_semaphore, #tpu.memory_space<semaphore_mem>>)
      } else {
      }
      %mul3A_298 = arith.constant 4 : i32
      %mul3A_299 = arith.muli %add3A_206, %mul3A_298 : i32
      %add3A_300 = arith.constant 2 : i32
      %add3A_301 = arith.addi %mul3A_299, %add3A_300 : i32
      %dma_wait3A_302 = arith.constant 2 : i32
      %dma_wait3A_303 = arith.constant 2 : i32
      %dma_wait3A_304 = arith.constant 0 : i32
      %dma_wait3A_305 = arith.constant 0 : i32
      %dma_wait3A_306 = tpu.memref_slice %arg7[%dma_wait3A_302, %dma_wait3A_304, %dma_wait3A_305] : memref<4x80x128xf32, #tpu.memory_space<vmem>> -> memref<1x80x128xf32, #tpu.memory_space<vmem>>
      %dma_wait3A_307 = tpu.memref_squeeze %dma_wait3A_306 : memref<1x80x128xf32, #tpu.memory_space<vmem>> -> memref<80x128xf32, #tpu.memory_space<vmem>>
      %dma_wait3A_308 = arith.constant 0 : i32
      %dma_wait3A_309 = tpu.memref_slice %arg3[%mul3A_2, %dma_wait3A_308] : memref<320000x128xf32, #tpu.memory_space<hbm>> -> memref<80x128xf32, #tpu.memory_space<hbm>>
      %dma_wait3A_310 = tpu.memref_slice %arg9[%dma_wait3A_303] : memref<4x!tpu.dma_semaphore, #tpu.memory_space<semaphore_mem>> -> memref<1x!tpu.dma_semaphore, #tpu.memory_space<semaphore_mem>>
      %dma_wait3A_311 = tpu.memref_squeeze %dma_wait3A_310 : memref<1x!tpu.dma_semaphore, #tpu.memory_space<semaphore_mem>> -> memref<!tpu.dma_semaphore, #tpu.memory_space<semaphore_mem>>
      %dma_wait3A_312 = arith.constant 0 : i32
      %dma_wait3A_313 = arith.constant 0 : i32
      %dma_wait3A_314 = tpu.memref_slice %arg7[%dma_wait3A_302, %dma_wait3A_312, %dma_wait3A_313] : memref<4x80x128xf32, #tpu.memory_space<vmem>> -> memref<1x80x128xf32, #tpu.memory_space<vmem>>
      %dma_wait3A_315 = tpu.memref_squeeze %dma_wait3A_314 : memref<1x80x128xf32, #tpu.memory_space<vmem>> -> memref<80x128xf32, #tpu.memory_space<vmem>>
      %dma_wait3A_316 = arith.constant 0 : i32
      %dma_wait3A_317 = tpu.memref_slice %arg3[%mul3A_2, %dma_wait3A_316] : memref<320000x128xf32, #tpu.memory_space<hbm>> -> memref<80x128xf32, #tpu.memory_space<hbm>>
      tpu.wait_dma2 semaphore(%dma_wait3A_311 : memref<!tpu.dma_semaphore, #tpu.memory_space<semaphore_mem>>) src(%dma_wait3A_317 : memref<80x128xf32, #tpu.memory_space<hbm>>) dst(%dma_wait3A_315 : memref<80x128xf32, #tpu.memory_space<vmem>>)
      %dma_wait3A_318 = arith.constant 0 : i32
      %dma_wait3A_319 = arith.constant 2 : i32
      %dma_wait3A_320 = arith.constant 2 : i32
      %dma_wait3A_321 = arith.constant 0 : i32
      %dma_wait3A_322 = tpu.memref_slice %arg6[%dma_wait3A_319, %dma_wait3A_321] : memref<4x80xi32, #tpu.memory_space<vmem>> -> memref<1x80xi32, #tpu.memory_space<vmem>>
      %dma_wait3A_323 = tpu.memref_squeeze %dma_wait3A_322 : memref<1x80xi32, #tpu.memory_space<vmem>> -> memref<80xi32, #tpu.memory_space<vmem>>
      %dma_wait3A_324 = arith.constant 0 : i32
      %dma_wait3A_325 = tpu.memref_slice %arg2[%add3A, %dma_wait3A_318, %dma_wait3A_324] : memref<32x125x80xi32, #tpu.memory_space<hbm>> -> memref<1x1x80xi32, #tpu.memory_space<hbm>>
      %dma_wait3A_326 = tpu.memref_squeeze %dma_wait3A_325 : memref<1x1x80xi32, #tpu.memory_space<hbm>> -> memref<80xi32, #tpu.memory_space<hbm>>
      %dma_wait3A_327 = tpu.memref_slice %arg10[%dma_wait3A_320] : memref<4x!tpu.dma_semaphore, #tpu.memory_space<semaphore_mem>> -> memref<1x!tpu.dma_semaphore, #tpu.memory_space<semaphore_mem>>
      %dma_wait3A_328 = tpu.memref_squeeze %dma_wait3A_327 : memref<1x!tpu.dma_semaphore, #tpu.memory_space<semaphore_mem>> -> memref<!tpu.dma_semaphore, #tpu.memory_space<semaphore_mem>>
      %dma_wait3A_329 = arith.constant 0 : i32
      %dma_wait3A_330 = tpu.memref_slice %arg6[%dma_wait3A_319, %dma_wait3A_329] : memref<4x80xi32, #tpu.memory_space<vmem>> -> memref<1x80xi32, #tpu.memory_space<vmem>>
      %dma_wait3A_331 = tpu.memref_squeeze %dma_wait3A_330 : memref<1x80xi32, #tpu.memory_space<vmem>> -> memref<80xi32, #tpu.memory_space<vmem>>
      %dma_wait3A_332 = arith.constant 0 : i32
      %dma_wait3A_333 = tpu.memref_slice %arg2[%add3A, %dma_wait3A_318, %dma_wait3A_332] : memref<32x125x80xi32, #tpu.memory_space<hbm>> -> memref<1x1x80xi32, #tpu.memory_space<hbm>>
      %dma_wait3A_334 = tpu.memref_squeeze %dma_wait3A_333 : memref<1x1x80xi32, #tpu.memory_space<hbm>> -> memref<80xi32, #tpu.memory_space<hbm>>
      tpu.wait_dma2 semaphore(%dma_wait3A_328 : memref<!tpu.dma_semaphore, #tpu.memory_space<semaphore_mem>>) src(%dma_wait3A_334 : memref<80xi32, #tpu.memory_space<hbm>>) dst(%dma_wait3A_331 : memref<80xi32, #tpu.memory_space<vmem>>)
      %run_scoped3A_335 = arith.constant 2 : i32
      %run_scoped3A_336 = arith.constant 2 : i32
      "tpu.region"() ({
        %run_scoped3A_390 = tpu.sem_alloc : memref<!tpu.dma_semaphore, #tpu.memory_space<semaphore_mem>>
        %dma_start3A_391 = arith.constant 0 : i32
        %dma_start3A_392 = arith.constant 0 : i32
        %dma_start3A_393 = tpu.memref_slice %arg7[%run_scoped3A_335, %dma_start3A_391, %dma_start3A_392] : memref<4x80x128xf32, #tpu.memory_space<vmem>> -> memref<1x80x128xf32, #tpu.memory_space<vmem>>
        %dma_start3A_394 = tpu.memref_squeeze %dma_start3A_393 : memref<1x80x128xf32, #tpu.memory_space<vmem>> -> memref<80x128xf32, #tpu.memory_space<vmem>>
        %dma_start3A_395 = arith.constant 0 : i32
        %dma_start3A_396 = tpu.memref_slice %arg6[%run_scoped3A_336, %dma_start3A_395] : memref<4x80xi32, #tpu.memory_space<vmem>> -> memref<1x80xi32, #tpu.memory_space<vmem>>
        %dma_start3A_397 = tpu.memref_squeeze %dma_start3A_396 : memref<1x80xi32, #tpu.memory_space<vmem>> -> memref<80xi32, #tpu.memory_space<vmem>>
        %dma_start3A_398 = arith.constant 0 : i32
        %dma_start3A_399 = arith.constant 0 : i32
        %dma_start3A_400 = tpu.memref_slice %arg8[%dma_start3A_398, %dma_start3A_399] : memref<10008x128xf32, #tpu.memory_space<vmem_shared>> -> memref<10008x128xf32, #tpu.memory_space<vmem_shared>>
        tpu.enqueue_indirect_dma source(%dma_start3A_394 : memref<80x128xf32, #tpu.memory_space<vmem>>) target(%dma_start3A_400 : memref<10008x128xf32, #tpu.memory_space<vmem_shared>>) offsets(%dma_start3A_397 : memref<80xi32, #tpu.memory_space<vmem>>) semaphore(%run_scoped3A_390 : memref<!tpu.dma_semaphore, #tpu.memory_space<semaphore_mem>>) {add = true}
        %dma_wait3A_401 = arith.constant 0 : i32
        %dma_wait3A_402 = arith.constant 0 : i32
        %dma_wait3A_403 = tpu.memref_slice %arg7[%run_scoped3A_335, %dma_wait3A_401, %dma_wait3A_402] : memref<4x80x128xf32, #tpu.memory_space<vmem>> -> memref<1x80x128xf32, #tpu.memory_space<vmem>>
        %dma_wait3A_404 = tpu.memref_squeeze %dma_wait3A_403 : memref<1x80x128xf32, #tpu.memory_space<vmem>> -> memref<80x128xf32, #tpu.memory_space<vmem>>
        %dma_wait3A_405 = arith.constant 0 : i32
        %dma_wait3A_406 = tpu.memref_slice %arg6[%run_scoped3A_336, %dma_wait3A_405] : memref<4x80xi32, #tpu.memory_space<vmem>> -> memref<1x80xi32, #tpu.memory_space<vmem>>
        %dma_wait3A_407 = tpu.memref_squeeze %dma_wait3A_406 : memref<1x80xi32, #tpu.memory_space<vmem>> -> memref<80xi32, #tpu.memory_space<vmem>>
        %dma_wait3A_408 = arith.constant 0 : i32
        %dma_wait3A_409 = arith.constant 0 : i32
        %dma_wait3A_410 = tpu.memref_slice %arg8[%dma_wait3A_408, %dma_wait3A_409] : memref<10008x128xf32, #tpu.memory_space<vmem_shared>> -> memref<10008x128xf32, #tpu.memory_space<vmem_shared>>
        tpu.wait_indirect_dma semaphore(%run_scoped3A_390 : memref<!tpu.dma_semaphore, #tpu.memory_space<semaphore_mem>>) src(%dma_wait3A_404 : memref<80x128xf32, #tpu.memory_space<vmem>>) dst(%dma_wait3A_410 : memref<10008x128xf32, #tpu.memory_space<vmem_shared>>)
        tpu.yield
      }) : () -> ()
      %add3A_337 = arith.constant 4 : i32
      %add3A_338 = arith.addi %add3A_301, %add3A_337 : i32
      %lt3A_339 = arith.constant 125 : i32
      %lt3A_340 = arith.cmpi slt, %add3A_338, %lt3A_339 : i32
      %convert_element_type3A_341 = arith.extui %lt3A_340 : i1 to i32
      %cond3A_342 = arith.constant 0 : i32
      %cond3A_343 = arith.cmpi ne, %convert_element_type3A_341, %cond3A_342 : i32
      scf.if %cond3A_343 {
        %add3A_390 = arith.constant 4 : i32
        %add3A_391 = arith.addi %add3A_301, %add3A_390 : i32
        %mul3A_392 = arith.constant 80 : i32
        %mul3A_393 = arith.muli %add3A_391, %mul3A_392 : i32
        %add3A_394 = arith.addi %mul3A_2, %mul3A_393 : i32
        %dma_start3A_395 = arith.constant 2 : i32
        %dma_start3A_396 = arith.constant 2 : i32
        %dma_start3A_397 = arith.constant 0 : i32
        %dma_start3A_398 = arith.constant 0 : i32
        %dma_start3A_399 = tpu.memref_slice %arg7[%dma_start3A_395, %dma_start3A_397, %dma_start3A_398] : memref<4x80x128xf32, #tpu.memory_space<vmem>> -> memref<1x80x128xf32, #tpu.memory_space<vmem>>
        %dma_start3A_400 = tpu.memref_squeeze %dma_start3A_399 : memref<1x80x128xf32, #tpu.memory_space<vmem>> -> memref<80x128xf32, #tpu.memory_space<vmem>>
        %dma_start3A_401 = arith.constant 0 : i32
        %dma_start3A_402 = tpu.memref_slice %arg3[%add3A_394, %dma_start3A_401] : memref<320000x128xf32, #tpu.memory_space<hbm>> -> memref<80x128xf32, #tpu.memory_space<hbm>>
        %dma_start3A_403 = tpu.memref_slice %arg9[%dma_start3A_396] : memref<4x!tpu.dma_semaphore, #tpu.memory_space<semaphore_mem>> -> memref<1x!tpu.dma_semaphore, #tpu.memory_space<semaphore_mem>>
        %dma_start3A_404 = tpu.memref_squeeze %dma_start3A_403 : memref<1x!tpu.dma_semaphore, #tpu.memory_space<semaphore_mem>> -> memref<!tpu.dma_semaphore, #tpu.memory_space<semaphore_mem>>
        %dma_start3A_405 = arith.constant 0 : i32
        %dma_start3A_406 = arith.constant 0 : i32
        %dma_start3A_407 = tpu.memref_slice %arg7[%dma_start3A_395, %dma_start3A_405, %dma_start3A_406] : memref<4x80x128xf32, #tpu.memory_space<vmem>> -> memref<1x80x128xf32, #tpu.memory_space<vmem>>
        %dma_start3A_408 = tpu.memref_squeeze %dma_start3A_407 : memref<1x80x128xf32, #tpu.memory_space<vmem>> -> memref<80x128xf32, #tpu.memory_space<vmem>>
        %dma_start3A_409 = arith.constant 0 : i32
        %dma_start3A_410 = tpu.memref_slice %arg3[%add3A_394, %dma_start3A_409] : memref<320000x128xf32, #tpu.memory_space<hbm>> -> memref<80x128xf32, #tpu.memory_space<hbm>>
        tpu.enqueue_dma source(%dma_start3A_410 : memref<80x128xf32, #tpu.memory_space<hbm>>) target(%dma_start3A_408 : memref<80x128xf32, #tpu.memory_space<vmem>>) target_semaphore(%dma_start3A_404 : memref<!tpu.dma_semaphore, #tpu.memory_space<semaphore_mem>>)
        %dma_start3A_411 = arith.constant 2 : i32
        %dma_start3A_412 = arith.constant 2 : i32
        %dma_start3A_413 = arith.constant 0 : i32
        %dma_start3A_414 = tpu.memref_slice %arg6[%dma_start3A_411, %dma_start3A_413] : memref<4x80xi32, #tpu.memory_space<vmem>> -> memref<1x80xi32, #tpu.memory_space<vmem>>
        %dma_start3A_415 = tpu.memref_squeeze %dma_start3A_414 : memref<1x80xi32, #tpu.memory_space<vmem>> -> memref<80xi32, #tpu.memory_space<vmem>>
        %dma_start3A_416 = arith.constant 0 : i32
        %dma_start3A_417 = tpu.memref_slice %arg2[%add3A, %add3A_391, %dma_start3A_416] : memref<32x125x80xi32, #tpu.memory_space<hbm>> -> memref<1x1x80xi32, #tpu.memory_space<hbm>>
        %dma_start3A_418 = tpu.memref_squeeze %dma_start3A_417 : memref<1x1x80xi32, #tpu.memory_space<hbm>> -> memref<80xi32, #tpu.memory_space<hbm>>
        %dma_start3A_419 = tpu.memref_slice %arg10[%dma_start3A_412] : memref<4x!tpu.dma_semaphore, #tpu.memory_space<semaphore_mem>> -> memref<1x!tpu.dma_semaphore, #tpu.memory_space<semaphore_mem>>
        %dma_start3A_420 = tpu.memref_squeeze %dma_start3A_419 : memref<1x!tpu.dma_semaphore, #tpu.memory_space<semaphore_mem>> -> memref<!tpu.dma_semaphore, #tpu.memory_space<semaphore_mem>>
        %dma_start3A_421 = arith.constant 0 : i32
        %dma_start3A_422 = tpu.memref_slice %arg6[%dma_start3A_411, %dma_start3A_421] : memref<4x80xi32, #tpu.memory_space<vmem>> -> memref<1x80xi32, #tpu.memory_space<vmem>>
        %dma_start3A_423 = tpu.memref_squeeze %dma_start3A_422 : memref<1x80xi32, #tpu.memory_space<vmem>> -> memref<80xi32, #tpu.memory_space<vmem>>
        %dma_start3A_424 = arith.constant 0 : i32
        %dma_start3A_425 = tpu.memref_slice %arg2[%add3A, %add3A_391, %dma_start3A_424] : memref<32x125x80xi32, #tpu.memory_space<hbm>> -> memref<1x1x80xi32, #tpu.memory_space<hbm>>
        %dma_start3A_426 = tpu.memref_squeeze %dma_start3A_425 : memref<1x1x80xi32, #tpu.memory_space<hbm>> -> memref<80xi32, #tpu.memory_space<hbm>>
        tpu.enqueue_dma source(%dma_start3A_426 : memref<80xi32, #tpu.memory_space<hbm>>) target(%dma_start3A_423 : memref<80xi32, #tpu.memory_space<vmem>>) target_semaphore(%dma_start3A_420 : memref<!tpu.dma_semaphore, #tpu.memory_space<semaphore_mem>>)
      } else {
      }
      %mul3A_344 = arith.constant 4 : i32
      %mul3A_345 = arith.muli %add3A_206, %mul3A_344 : i32
      %add3A_346 = arith.constant 3 : i32
      %add3A_347 = arith.addi %mul3A_345, %add3A_346 : i32
      %dma_wait3A_348 = arith.constant 3 : i32
      %dma_wait3A_349 = arith.constant 3 : i32
      %dma_wait3A_350 = arith.constant 0 : i32
      %dma_wait3A_351 = arith.constant 0 : i32
      %dma_wait3A_352 = tpu.memref_slice %arg7[%dma_wait3A_348, %dma_wait3A_350, %dma_wait3A_351] : memref<4x80x128xf32, #tpu.memory_space<vmem>> -> memref<1x80x128xf32, #tpu.memory_space<vmem>>
      %dma_wait3A_353 = tpu.memref_squeeze %dma_wait3A_352 : memref<1x80x128xf32, #tpu.memory_space<vmem>> -> memref<80x128xf32, #tpu.memory_space<vmem>>
      %dma_wait3A_354 = arith.constant 0 : i32
      %dma_wait3A_355 = tpu.memref_slice %arg3[%mul3A_2, %dma_wait3A_354] : memref<320000x128xf32, #tpu.memory_space<hbm>> -> memref<80x128xf32, #tpu.memory_space<hbm>>
      %dma_wait3A_356 = tpu.memref_slice %arg9[%dma_wait3A_349] : memref<4x!tpu.dma_semaphore, #tpu.memory_space<semaphore_mem>> -> memref<1x!tpu.dma_semaphore, #tpu.memory_space<semaphore_mem>>
      %dma_wait3A_357 = tpu.memref_squeeze %dma_wait3A_356 : memref<1x!tpu.dma_semaphore, #tpu.memory_space<semaphore_mem>> -> memref<!tpu.dma_semaphore, #tpu.memory_space<semaphore_mem>>
      %dma_wait3A_358 = arith.constant 0 : i32
      %dma_wait3A_359 = arith.constant 0 : i32
      %dma_wait3A_360 = tpu.memref_slice %arg7[%dma_wait3A_348, %dma_wait3A_358, %dma_wait3A_359] : memref<4x80x128xf32, #tpu.memory_space<vmem>> -> memref<1x80x128xf32, #tpu.memory_space<vmem>>
      %dma_wait3A_361 = tpu.memref_squeeze %dma_wait3A_360 : memref<1x80x128xf32, #tpu.memory_space<vmem>> -> memref<80x128xf32, #tpu.memory_space<vmem>>
      %dma_wait3A_362 = arith.constant 0 : i32
      %dma_wait3A_363 = tpu.memref_slice %arg3[%mul3A_2, %dma_wait3A_362] : memref<320000x128xf32, #tpu.memory_space<hbm>> -> memref<80x128xf32, #tpu.memory_space<hbm>>
      tpu.wait_dma2 semaphore(%dma_wait3A_357 : memref<!tpu.dma_semaphore, #tpu.memory_space<semaphore_mem>>) src(%dma_wait3A_363 : memref<80x128xf32, #tpu.memory_space<hbm>>) dst(%dma_wait3A_361 : memref<80x128xf32, #tpu.memory_space<vmem>>)
      %dma_wait3A_364 = arith.constant 0 : i32
      %dma_wait3A_365 = arith.constant 3 : i32
      %dma_wait3A_366 = arith.constant 3 : i32
      %dma_wait3A_367 = arith.constant 0 : i32
      %dma_wait3A_368 = tpu.memref_slice %arg6[%dma_wait3A_365, %dma_wait3A_367] : memref<4x80xi32, #tpu.memory_space<vmem>> -> memref<1x80xi32, #tpu.memory_space<vmem>>
      %dma_wait3A_369 = tpu.memref_squeeze %dma_wait3A_368 : memref<1x80xi32, #tpu.memory_space<vmem>> -> memref<80xi32, #tpu.memory_space<vmem>>
      %dma_wait3A_370 = arith.constant 0 : i32
      %dma_wait3A_371 = tpu.memref_slice %arg2[%add3A, %dma_wait3A_364, %dma_wait3A_370] : memref<32x125x80xi32, #tpu.memory_space<hbm>> -> memref<1x1x80xi32, #tpu.memory_space<hbm>>
      %dma_wait3A_372 = tpu.memref_squeeze %dma_wait3A_371 : memref<1x1x80xi32, #tpu.memory_space<hbm>> -> memref<80xi32, #tpu.memory_space<hbm>>
      %dma_wait3A_373 = tpu.memref_slice %arg10[%dma_wait3A_366] : memref<4x!tpu.dma_semaphore, #tpu.memory_space<semaphore_mem>> -> memref<1x!tpu.dma_semaphore, #tpu.memory_space<semaphore_mem>>
      %dma_wait3A_374 = tpu.memref_squeeze %dma_wait3A_373 : memref<1x!tpu.dma_semaphore, #tpu.memory_space<semaphore_mem>> -> memref<!tpu.dma_semaphore, #tpu.memory_space<semaphore_mem>>
      %dma_wait3A_375 = arith.constant 0 : i32
      %dma_wait3A_376 = tpu.memref_slice %arg6[%dma_wait3A_365, %dma_wait3A_375] : memref<4x80xi32, #tpu.memory_space<vmem>> -> memref<1x80xi32, #tpu.memory_space<vmem>>
      %dma_wait3A_377 = tpu.memref_squeeze %dma_wait3A_376 : memref<1x80xi32, #tpu.memory_space<vmem>> -> memref<80xi32, #tpu.memory_space<vmem>>
      %dma_wait3A_378 = arith.constant 0 : i32
      %dma_wait3A_379 = tpu.memref_slice %arg2[%add3A, %dma_wait3A_364, %dma_wait3A_378] : memref<32x125x80xi32, #tpu.memory_space<hbm>> -> memref<1x1x80xi32, #tpu.memory_space<hbm>>
      %dma_wait3A_380 = tpu.memref_squeeze %dma_wait3A_379 : memref<1x1x80xi32, #tpu.memory_space<hbm>> -> memref<80xi32, #tpu.memory_space<hbm>>
      tpu.wait_dma2 semaphore(%dma_wait3A_374 : memref<!tpu.dma_semaphore, #tpu.memory_space<semaphore_mem>>) src(%dma_wait3A_380 : memref<80xi32, #tpu.memory_space<hbm>>) dst(%dma_wait3A_377 : memref<80xi32, #tpu.memory_space<vmem>>)
      %run_scoped3A_381 = arith.constant 3 : i32
      %run_scoped3A_382 = arith.constant 3 : i32
      "tpu.region"() ({
        %run_scoped3A_390 = tpu.sem_alloc : memref<!tpu.dma_semaphore, #tpu.memory_space<semaphore_mem>>
        %dma_start3A_391 = arith.constant 0 : i32
        %dma_start3A_392 = arith.constant 0 : i32
        %dma_start3A_393 = tpu.memref_slice %arg7[%run_scoped3A_381, %dma_start3A_391, %dma_start3A_392] : memref<4x80x128xf32, #tpu.memory_space<vmem>> -> memref<1x80x128xf32, #tpu.memory_space<vmem>>
        %dma_start3A_394 = tpu.memref_squeeze %dma_start3A_393 : memref<1x80x128xf32, #tpu.memory_space<vmem>> -> memref<80x128xf32, #tpu.memory_space<vmem>>
        %dma_start3A_395 = arith.constant 0 : i32
        %dma_start3A_396 = tpu.memref_slice %arg6[%run_scoped3A_382, %dma_start3A_395] : memref<4x80xi32, #tpu.memory_space<vmem>> -> memref<1x80xi32, #tpu.memory_space<vmem>>
        %dma_start3A_397 = tpu.memref_squeeze %dma_start3A_396 : memref<1x80xi32, #tpu.memory_space<vmem>> -> memref<80xi32, #tpu.memory_space<vmem>>
        %dma_start3A_398 = arith.constant 0 : i32
        %dma_start3A_399 = arith.constant 0 : i32
        %dma_start3A_400 = tpu.memref_slice %arg8[%dma_start3A_398, %dma_start3A_399] : memref<10008x128xf32, #tpu.memory_space<vmem_shared>> -> memref<10008x128xf32, #tpu.memory_space<vmem_shared>>
        tpu.enqueue_indirect_dma source(%dma_start3A_394 : memref<80x128xf32, #tpu.memory_space<vmem>>) target(%dma_start3A_400 : memref<10008x128xf32, #tpu.memory_space<vmem_shared>>) offsets(%dma_start3A_397 : memref<80xi32, #tpu.memory_space<vmem>>) semaphore(%run_scoped3A_390 : memref<!tpu.dma_semaphore, #tpu.memory_space<semaphore_mem>>) {add = true}
        %dma_wait3A_401 = arith.constant 0 : i32
        %dma_wait3A_402 = arith.constant 0 : i32
        %dma_wait3A_403 = tpu.memref_slice %arg7[%run_scoped3A_381, %dma_wait3A_401, %dma_wait3A_402] : memref<4x80x128xf32, #tpu.memory_space<vmem>> -> memref<1x80x128xf32, #tpu.memory_space<vmem>>
        %dma_wait3A_404 = tpu.memref_squeeze %dma_wait3A_403 : memref<1x80x128xf32, #tpu.memory_space<vmem>> -> memref<80x128xf32, #tpu.memory_space<vmem>>
        %dma_wait3A_405 = arith.constant 0 : i32
        %dma_wait3A_406 = tpu.memref_slice %arg6[%run_scoped3A_382, %dma_wait3A_405] : memref<4x80xi32, #tpu.memory_space<vmem>> -> memref<1x80xi32, #tpu.memory_space<vmem>>
        %dma_wait3A_407 = tpu.memref_squeeze %dma_wait3A_406 : memref<1x80xi32, #tpu.memory_space<vmem>> -> memref<80xi32, #tpu.memory_space<vmem>>
        %dma_wait3A_408 = arith.constant 0 : i32
        %dma_wait3A_409 = arith.constant 0 : i32
        %dma_wait3A_410 = tpu.memref_slice %arg8[%dma_wait3A_408, %dma_wait3A_409] : memref<10008x128xf32, #tpu.memory_space<vmem_shared>> -> memref<10008x128xf32, #tpu.memory_space<vmem_shared>>
        tpu.wait_indirect_dma semaphore(%run_scoped3A_390 : memref<!tpu.dma_semaphore, #tpu.memory_space<semaphore_mem>>) src(%dma_wait3A_404 : memref<80x128xf32, #tpu.memory_space<vmem>>) dst(%dma_wait3A_410 : memref<10008x128xf32, #tpu.memory_space<vmem_shared>>)
        tpu.yield
      }) : () -> ()
      %add3A_383 = arith.constant 4 : i32
      %add3A_384 = arith.addi %add3A_347, %add3A_383 : i32
      %lt3A_385 = arith.constant 125 : i32
      %lt3A_386 = arith.cmpi slt, %add3A_384, %lt3A_385 : i32
      %convert_element_type3A_387 = arith.extui %lt3A_386 : i1 to i32
      %cond3A_388 = arith.constant 0 : i32
      %cond3A_389 = arith.cmpi ne, %convert_element_type3A_387, %cond3A_388 : i32
      scf.if %cond3A_389 {
        %add3A_390 = arith.constant 4 : i32
        %add3A_391 = arith.addi %add3A_347, %add3A_390 : i32
        %mul3A_392 = arith.constant 80 : i32
        %mul3A_393 = arith.muli %add3A_391, %mul3A_392 : i32
        %add3A_394 = arith.addi %mul3A_2, %mul3A_393 : i32
        %dma_start3A_395 = arith.constant 3 : i32
        %dma_start3A_396 = arith.constant 3 : i32
        %dma_start3A_397 = arith.constant 0 : i32
        %dma_start3A_398 = arith.constant 0 : i32
        %dma_start3A_399 = tpu.memref_slice %arg7[%dma_start3A_395, %dma_start3A_397, %dma_start3A_398] : memref<4x80x128xf32, #tpu.memory_space<vmem>> -> memref<1x80x128xf32, #tpu.memory_space<vmem>>
        %dma_start3A_400 = tpu.memref_squeeze %dma_start3A_399 : memref<1x80x128xf32, #tpu.memory_space<vmem>> -> memref<80x128xf32, #tpu.memory_space<vmem>>
        %dma_start3A_401 = arith.constant 0 : i32
        %dma_start3A_402 = tpu.memref_slice %arg3[%add3A_394, %dma_start3A_401] : memref<320000x128xf32, #tpu.memory_space<hbm>> -> memref<80x128xf32, #tpu.memory_space<hbm>>
        %dma_start3A_403 = tpu.memref_slice %arg9[%dma_start3A_396] : memref<4x!tpu.dma_semaphore, #tpu.memory_space<semaphore_mem>> -> memref<1x!tpu.dma_semaphore, #tpu.memory_space<semaphore_mem>>
        %dma_start3A_404 = tpu.memref_squeeze %dma_start3A_403 : memref<1x!tpu.dma_semaphore, #tpu.memory_space<semaphore_mem>> -> memref<!tpu.dma_semaphore, #tpu.memory_space<semaphore_mem>>
        %dma_start3A_405 = arith.constant 0 : i32
        %dma_start3A_406 = arith.constant 0 : i32
        %dma_start3A_407 = tpu.memref_slice %arg7[%dma_start3A_395, %dma_start3A_405, %dma_start3A_406] : memref<4x80x128xf32, #tpu.memory_space<vmem>> -> memref<1x80x128xf32, #tpu.memory_space<vmem>>
        %dma_start3A_408 = tpu.memref_squeeze %dma_start3A_407 : memref<1x80x128xf32, #tpu.memory_space<vmem>> -> memref<80x128xf32, #tpu.memory_space<vmem>>
        %dma_start3A_409 = arith.constant 0 : i32
        %dma_start3A_410 = tpu.memref_slice %arg3[%add3A_394, %dma_start3A_409] : memref<320000x128xf32, #tpu.memory_space<hbm>> -> memref<80x128xf32, #tpu.memory_space<hbm>>
        tpu.enqueue_dma source(%dma_start3A_410 : memref<80x128xf32, #tpu.memory_space<hbm>>) target(%dma_start3A_408 : memref<80x128xf32, #tpu.memory_space<vmem>>) target_semaphore(%dma_start3A_404 : memref<!tpu.dma_semaphore, #tpu.memory_space<semaphore_mem>>)
        %dma_start3A_411 = arith.constant 3 : i32
        %dma_start3A_412 = arith.constant 3 : i32
        %dma_start3A_413 = arith.constant 0 : i32
        %dma_start3A_414 = tpu.memref_slice %arg6[%dma_start3A_411, %dma_start3A_413] : memref<4x80xi32, #tpu.memory_space<vmem>> -> memref<1x80xi32, #tpu.memory_space<vmem>>
        %dma_start3A_415 = tpu.memref_squeeze %dma_start3A_414 : memref<1x80xi32, #tpu.memory_space<vmem>> -> memref<80xi32, #tpu.memory_space<vmem>>
        %dma_start3A_416 = arith.constant 0 : i32
        %dma_start3A_417 = tpu.memref_slice %arg2[%add3A, %add3A_391, %dma_start3A_416] : memref<32x125x80xi32, #tpu.memory_space<hbm>> -> memref<1x1x80xi32, #tpu.memory_space<hbm>>
        %dma_start3A_418 = tpu.memref_squeeze %dma_start3A_417 : memref<1x1x80xi32, #tpu.memory_space<hbm>> -> memref<80xi32, #tpu.memory_space<hbm>>
        %dma_start3A_419 = tpu.memref_slice %arg10[%dma_start3A_412] : memref<4x!tpu.dma_semaphore, #tpu.memory_space<semaphore_mem>> -> memref<1x!tpu.dma_semaphore, #tpu.memory_space<semaphore_mem>>
        %dma_start3A_420 = tpu.memref_squeeze %dma_start3A_419 : memref<1x!tpu.dma_semaphore, #tpu.memory_space<semaphore_mem>> -> memref<!tpu.dma_semaphore, #tpu.memory_space<semaphore_mem>>
        %dma_start3A_421 = arith.constant 0 : i32
        %dma_start3A_422 = tpu.memref_slice %arg6[%dma_start3A_411, %dma_start3A_421] : memref<4x80xi32, #tpu.memory_space<vmem>> -> memref<1x80xi32, #tpu.memory_space<vmem>>
        %dma_start3A_423 = tpu.memref_squeeze %dma_start3A_422 : memref<1x80xi32, #tpu.memory_space<vmem>> -> memref<80xi32, #tpu.memory_space<vmem>>
        %dma_start3A_424 = arith.constant 0 : i32
        %dma_start3A_425 = tpu.memref_slice %arg2[%add3A, %add3A_391, %dma_start3A_424] : memref<32x125x80xi32, #tpu.memory_space<hbm>> -> memref<1x1x80xi32, #tpu.memory_space<hbm>>
        %dma_start3A_426 = tpu.memref_squeeze %dma_start3A_425 : memref<1x1x80xi32, #tpu.memory_space<hbm>> -> memref<80xi32, #tpu.memory_space<hbm>>
        tpu.enqueue_dma source(%dma_start3A_426 : memref<80xi32, #tpu.memory_space<hbm>>) target(%dma_start3A_423 : memref<80xi32, #tpu.memory_space<vmem>>) target_semaphore(%dma_start3A_420 : memref<!tpu.dma_semaphore, #tpu.memory_space<semaphore_mem>>)
      } else {
      }
    }
    %scan3A_161 = arith.constant 31 : i32
    %dma_wait3A_162 = arith.constant 0 : i32
    %dma_wait3A_163 = arith.constant 0 : i32
    %dma_wait3A_164 = arith.constant 0 : i32
    %dma_wait3A_165 = arith.constant 0 : i32
    %dma_wait3A_166 = tpu.memref_slice %arg7[%dma_wait3A_162, %dma_wait3A_164, %dma_wait3A_165] : memref<4x80x128xf32, #tpu.memory_space<vmem>> -> memref<1x80x128xf32, #tpu.memory_space<vmem>>
    %dma_wait3A_167 = tpu.memref_squeeze %dma_wait3A_166 : memref<1x80x128xf32, #tpu.memory_space<vmem>> -> memref<80x128xf32, #tpu.memory_space<vmem>>
    %dma_wait3A_168 = arith.constant 0 : i32
    %dma_wait3A_169 = tpu.memref_slice %arg3[%mul3A_2, %dma_wait3A_168] : memref<320000x128xf32, #tpu.memory_space<hbm>> -> memref<80x128xf32, #tpu.memory_space<hbm>>
    %dma_wait3A_170 = tpu.memref_slice %arg9[%dma_wait3A_163] : memref<4x!tpu.dma_semaphore, #tpu.memory_space<semaphore_mem>> -> memref<1x!tpu.dma_semaphore, #tpu.memory_space<semaphore_mem>>
    %dma_wait3A_171 = tpu.memref_squeeze %dma_wait3A_170 : memref<1x!tpu.dma_semaphore, #tpu.memory_space<semaphore_mem>> -> memref<!tpu.dma_semaphore, #tpu.memory_space<semaphore_mem>>
    %dma_wait3A_172 = arith.constant 0 : i32
    %dma_wait3A_173 = arith.constant 0 : i32
    %dma_wait3A_174 = tpu.memref_slice %arg7[%dma_wait3A_162, %dma_wait3A_172, %dma_wait3A_173] : memref<4x80x128xf32, #tpu.memory_space<vmem>> -> memref<1x80x128xf32, #tpu.memory_space<vmem>>
    %dma_wait3A_175 = tpu.memref_squeeze %dma_wait3A_174 : memref<1x80x128xf32, #tpu.memory_space<vmem>> -> memref<80x128xf32, #tpu.memory_space<vmem>>
    %dma_wait3A_176 = arith.constant 0 : i32
    %dma_wait3A_177 = tpu.memref_slice %arg3[%mul3A_2, %dma_wait3A_176] : memref<320000x128xf32, #tpu.memory_space<hbm>> -> memref<80x128xf32, #tpu.memory_space<hbm>>
    tpu.wait_dma2 semaphore(%dma_wait3A_171 : memref<!tpu.dma_semaphore, #tpu.memory_space<semaphore_mem>>) src(%dma_wait3A_177 : memref<80x128xf32, #tpu.memory_space<hbm>>) dst(%dma_wait3A_175 : memref<80x128xf32, #tpu.memory_space<vmem>>)
    %dma_wait3A_178 = arith.constant 0 : i32
    %dma_wait3A_179 = arith.constant 0 : i32
    %dma_wait3A_180 = arith.constant 0 : i32
    %dma_wait3A_181 = arith.constant 0 : i32
    %dma_wait3A_182 = tpu.memref_slice %arg6[%dma_wait3A_179, %dma_wait3A_181] : memref<4x80xi32, #tpu.memory_space<vmem>> -> memref<1x80xi32, #tpu.memory_space<vmem>>
    %dma_wait3A_183 = tpu.memref_squeeze %dma_wait3A_182 : memref<1x80xi32, #tpu.memory_space<vmem>> -> memref<80xi32, #tpu.memory_space<vmem>>
    %dma_wait3A_184 = arith.constant 0 : i32
    %dma_wait3A_185 = tpu.memref_slice %arg2[%add3A, %dma_wait3A_178, %dma_wait3A_184] : memref<32x125x80xi32, #tpu.memory_space<hbm>> -> memref<1x1x80xi32, #tpu.memory_space<hbm>>
    %dma_wait3A_186 = tpu.memref_squeeze %dma_wait3A_185 : memref<1x1x80xi32, #tpu.memory_space<hbm>> -> memref<80xi32, #tpu.memory_space<hbm>>
    %dma_wait3A_187 = tpu.memref_slice %arg10[%dma_wait3A_180] : memref<4x!tpu.dma_semaphore, #tpu.memory_space<semaphore_mem>> -> memref<1x!tpu.dma_semaphore, #tpu.memory_space<semaphore_mem>>
    %dma_wait3A_188 = tpu.memref_squeeze %dma_wait3A_187 : memref<1x!tpu.dma_semaphore, #tpu.memory_space<semaphore_mem>> -> memref<!tpu.dma_semaphore, #tpu.memory_space<semaphore_mem>>
    %dma_wait3A_189 = arith.constant 0 : i32
    %dma_wait3A_190 = tpu.memref_slice %arg6[%dma_wait3A_179, %dma_wait3A_189] : memref<4x80xi32, #tpu.memory_space<vmem>> -> memref<1x80xi32, #tpu.memory_space<vmem>>
    %dma_wait3A_191 = tpu.memref_squeeze %dma_wait3A_190 : memref<1x80xi32, #tpu.memory_space<vmem>> -> memref<80xi32, #tpu.memory_space<vmem>>
    %dma_wait3A_192 = arith.constant 0 : i32
    %dma_wait3A_193 = tpu.memref_slice %arg2[%add3A, %dma_wait3A_178, %dma_wait3A_192] : memref<32x125x80xi32, #tpu.memory_space<hbm>> -> memref<1x1x80xi32, #tpu.memory_space<hbm>>
    %dma_wait3A_194 = tpu.memref_squeeze %dma_wait3A_193 : memref<1x1x80xi32, #tpu.memory_space<hbm>> -> memref<80xi32, #tpu.memory_space<hbm>>
    tpu.wait_dma2 semaphore(%dma_wait3A_188 : memref<!tpu.dma_semaphore, #tpu.memory_space<semaphore_mem>>) src(%dma_wait3A_194 : memref<80xi32, #tpu.memory_space<hbm>>) dst(%dma_wait3A_191 : memref<80xi32, #tpu.memory_space<vmem>>)
    %run_scoped3A = arith.constant 0 : i32
    %run_scoped3A_195 = arith.constant 0 : i32
    "tpu.region"() ({
      %run_scoped3A_202 = tpu.sem_alloc : memref<!tpu.dma_semaphore, #tpu.memory_space<semaphore_mem>>
      %dma_start3A_203 = arith.constant 0 : i32
      %dma_start3A_204 = arith.constant 0 : i32
      %dma_start3A_205 = tpu.memref_slice %arg7[%run_scoped3A, %dma_start3A_203, %dma_start3A_204] : memref<4x80x128xf32, #tpu.memory_space<vmem>> -> memref<1x80x128xf32, #tpu.memory_space<vmem>>
      %dma_start3A_206 = tpu.memref_squeeze %dma_start3A_205 : memref<1x80x128xf32, #tpu.memory_space<vmem>> -> memref<80x128xf32, #tpu.memory_space<vmem>>
      %dma_start3A_207 = arith.constant 0 : i32
      %dma_start3A_208 = tpu.memref_slice %arg6[%run_scoped3A_195, %dma_start3A_207] : memref<4x80xi32, #tpu.memory_space<vmem>> -> memref<1x80xi32, #tpu.memory_space<vmem>>
      %dma_start3A_209 = tpu.memref_squeeze %dma_start3A_208 : memref<1x80xi32, #tpu.memory_space<vmem>> -> memref<80xi32, #tpu.memory_space<vmem>>
      %dma_start3A_210 = arith.constant 0 : i32
      %dma_start3A_211 = arith.constant 0 : i32
      %dma_start3A_212 = tpu.memref_slice %arg8[%dma_start3A_210, %dma_start3A_211] : memref<10008x128xf32, #tpu.memory_space<vmem_shared>> -> memref<10008x128xf32, #tpu.memory_space<vmem_shared>>
      tpu.enqueue_indirect_dma source(%dma_start3A_206 : memref<80x128xf32, #tpu.memory_space<vmem>>) target(%dma_start3A_212 : memref<10008x128xf32, #tpu.memory_space<vmem_shared>>) offsets(%dma_start3A_209 : memref<80xi32, #tpu.memory_space<vmem>>) semaphore(%run_scoped3A_202 : memref<!tpu.dma_semaphore, #tpu.memory_space<semaphore_mem>>) {add = true}
      %dma_wait3A_213 = arith.constant 0 : i32
      %dma_wait3A_214 = arith.constant 0 : i32
      %dma_wait3A_215 = tpu.memref_slice %arg7[%run_scoped3A, %dma_wait3A_213, %dma_wait3A_214] : memref<4x80x128xf32, #tpu.memory_space<vmem>> -> memref<1x80x128xf32, #tpu.memory_space<vmem>>
      %dma_wait3A_216 = tpu.memref_squeeze %dma_wait3A_215 : memref<1x80x128xf32, #tpu.memory_space<vmem>> -> memref<80x128xf32, #tpu.memory_space<vmem>>
      %dma_wait3A_217 = arith.constant 0 : i32
      %dma_wait3A_218 = tpu.memref_slice %arg6[%run_scoped3A_195, %dma_wait3A_217] : memref<4x80xi32, #tpu.memory_space<vmem>> -> memref<1x80xi32, #tpu.memory_space<vmem>>
      %dma_wait3A_219 = tpu.memref_squeeze %dma_wait3A_218 : memref<1x80xi32, #tpu.memory_space<vmem>> -> memref<80xi32, #tpu.memory_space<vmem>>
      %dma_wait3A_220 = arith.constant 0 : i32
      %dma_wait3A_221 = arith.constant 0 : i32
      %dma_wait3A_222 = tpu.memref_slice %arg8[%dma_wait3A_220, %dma_wait3A_221] : memref<10008x128xf32, #tpu.memory_space<vmem_shared>> -> memref<10008x128xf32, #tpu.memory_space<vmem_shared>>
      tpu.wait_indirect_dma semaphore(%run_scoped3A_202 : memref<!tpu.dma_semaphore, #tpu.memory_space<semaphore_mem>>) src(%dma_wait3A_216 : memref<80x128xf32, #tpu.memory_space<vmem>>) dst(%dma_wait3A_222 : memref<10008x128xf32, #tpu.memory_space<vmem_shared>>)
      tpu.yield
    }) : () -> ()
    %barrier3A_196 = arith.constant 0 : index
    tpu.barrier barrier_id(%barrier3A_196)
    "tpu.region"() ({
      %run_scoped3A_202 = tpu.sem_alloc : memref<!tpu.dma_semaphore, #tpu.memory_space<semaphore_mem>>
      %dma_start3A_203 = arith.constant 0 : i32
      %dma_start3A_204 = tpu.memref_slice %arg5[%arg0, %mul3A_4, %dma_start3A_203] : memref<2x10000x128xf32, #tpu.memory_space<hbm>> -> memref<1x624x128xf32, #tpu.memory_space<hbm>>
      %dma_start3A_205 = tpu.memref_squeeze %dma_start3A_204 : memref<1x624x128xf32, #tpu.memory_space<hbm>> -> memref<624x128xf32, #tpu.memory_space<hbm>>
      %dma_start3A_206 = arith.constant 0 : i32
      %dma_start3A_207 = tpu.memref_slice %arg8[%mul3A_4, %dma_start3A_206] : memref<10008x128xf32, #tpu.memory_space<vmem_shared>> -> memref<624x128xf32, #tpu.memory_space<vmem_shared>>
      tpu.enqueue_dma source(%dma_start3A_207 : memref<624x128xf32, #tpu.memory_space<vmem_shared>>) target(%dma_start3A_205 : memref<624x128xf32, #tpu.memory_space<hbm>>) target_semaphore(%run_scoped3A_202 : memref<!tpu.dma_semaphore, #tpu.memory_space<semaphore_mem>>)
      %dma_wait3A_208 = arith.constant 0 : i32
      %dma_wait3A_209 = tpu.memref_slice %arg5[%arg0, %mul3A_4, %dma_wait3A_208] : memref<2x10000x128xf32, #tpu.memory_space<hbm>> -> memref<1x624x128xf32, #tpu.memory_space<hbm>>
      %dma_wait3A_210 = tpu.memref_squeeze %dma_wait3A_209 : memref<1x624x128xf32, #tpu.memory_space<hbm>> -> memref<624x128xf32, #tpu.memory_space<hbm>>
      %dma_wait3A_211 = arith.constant 0 : i32
      %dma_wait3A_212 = tpu.memref_slice %arg8[%mul3A_4, %dma_wait3A_211] : memref<10008x128xf32, #tpu.memory_space<vmem_shared>> -> memref<624x128xf32, #tpu.memory_space<vmem_shared>>
      tpu.wait_dma2 semaphore(%run_scoped3A_202 : memref<!tpu.dma_semaphore, #tpu.memory_space<semaphore_mem>>) src(%dma_wait3A_212 : memref<624x128xf32, #tpu.memory_space<vmem_shared>>) dst(%dma_wait3A_210 : memref<624x128xf32, #tpu.memory_space<hbm>>)
      tpu.yield
    }) : () -> ()
    %eq3A_197 = arith.constant 0 : i32
    %eq3A_198 = arith.cmpi eq, %arg1, %eq3A_197 : i32
    %convert_element_type3A_199 = arith.extui %eq3A_198 : i1 to i32
    %cond3A_200 = arith.constant 0 : i32
    %cond3A_201 = arith.cmpi ne, %convert_element_type3A_199, %cond3A_200 : i32
    scf.if %cond3A_201 {
      "tpu.region"() ({
        %run_scoped3A_202 = tpu.sem_alloc : memref<!tpu.dma_semaphore, #tpu.memory_space<semaphore_mem>>
        %dma_start3A_203 = arith.constant 9984 : i32
        %dma_start3A_204 = arith.constant 0 : i32
        %dma_start3A_205 = tpu.memref_slice %arg5[%arg0, %dma_start3A_203, %dma_start3A_204] : memref<2x10000x128xf32, #tpu.memory_space<hbm>> -> memref<1x16x128xf32, #tpu.memory_space<hbm>>
        %dma_start3A_206 = tpu.memref_squeeze %dma_start3A_205 : memref<1x16x128xf32, #tpu.memory_space<hbm>> -> memref<16x128xf32, #tpu.memory_space<hbm>>
        %dma_start3A_207 = arith.constant 9984 : i32
        %dma_start3A_208 = arith.constant 0 : i32
        %dma_start3A_209 = tpu.memref_slice %arg8[%dma_start3A_207, %dma_start3A_208] : memref<10008x128xf32, #tpu.memory_space<vmem_shared>> -> memref<16x128xf32, #tpu.memory_space<vmem_shared>>
        tpu.enqueue_dma source(%dma_start3A_209 : memref<16x128xf32, #tpu.memory_space<vmem_shared>>) target(%dma_start3A_206 : memref<16x128xf32, #tpu.memory_space<hbm>>) target_semaphore(%run_scoped3A_202 : memref<!tpu.dma_semaphore, #tpu.memory_space<semaphore_mem>>)
        %dma_wait3A_210 = arith.constant 9984 : i32
        %dma_wait3A_211 = arith.constant 0 : i32
        %dma_wait3A_212 = tpu.memref_slice %arg5[%arg0, %dma_wait3A_210, %dma_wait3A_211] : memref<2x10000x128xf32, #tpu.memory_space<hbm>> -> memref<1x16x128xf32, #tpu.memory_space<hbm>>
        %dma_wait3A_213 = tpu.memref_squeeze %dma_wait3A_212 : memref<1x16x128xf32, #tpu.memory_space<hbm>> -> memref<16x128xf32, #tpu.memory_space<hbm>>
        %dma_wait3A_214 = arith.constant 9984 : i32
        %dma_wait3A_215 = arith.constant 0 : i32
        %dma_wait3A_216 = tpu.memref_slice %arg8[%dma_wait3A_214, %dma_wait3A_215] : memref<10008x128xf32, #tpu.memory_space<vmem_shared>> -> memref<16x128xf32, #tpu.memory_space<vmem_shared>>
        tpu.wait_dma2 semaphore(%run_scoped3A_202 : memref<!tpu.dma_semaphore, #tpu.memory_space<semaphore_mem>>) src(%dma_wait3A_216 : memref<16x128xf32, #tpu.memory_space<vmem_shared>>) dst(%dma_wait3A_213 : memref<16x128xf32, #tpu.memory_space<hbm>>)
        tpu.yield
      }) : () -> ()
    } else {
    }
    return
  }
}

</mosaic_0001>

<sc_bundles>
// kernel: _segment_sum_sc.3.cloned.1.call-start
scs
__scs_entry_jumppad:
0x0: {  	(pc) =	sbr.rel $0x88, $3  }
0x1: {  	(tag) =	ssettag $0x0;
	lr =	simm.s32 $0x1  }
0x2: {  	[smem:$0x3F9E] =	sst lr;
	_ =	strace $0xD0000000  }
0x3: {  	_ = 	snop  }
0x4: {  	_ = 	snop  }
0x5: {  	_ = 	snop  }
0x6: {  	_ = 	snop  }
0x7: {  	_ = 	snop  }
__scs_overlays_trampoline_lowered:
0x8: {  	[smem:$0x3FAD] =	sst s0  }
0x9: {  	[smem:$0x3FAE] =	sst s1  }
0xa: {  	[smem:$0x3FAF] =	sst s2  }
0xb: {  	[smem:$0x3FB0] =	sst s3  }
0xc: {  	[smem:$0x3FB1] =	sst s4  }
0xd: {  	[smem:$0x3FB2] =	sst s5  }
0xe: {  	[smem:$0x3FB3] =	sst s6  }
0xf: {  	[smem:$0x3FB4] =	sst s7  }
0x10: {  	[smem:$0x3FB5] =	sst s8  }
0x11: {  	[smem:$0x3FB6] =	sst s9;
	s0 =	simm.s32 @!p0 $0x0  }
0x12: {  	s1 =	sld [smem:$0x3F9C];
	s0 =	simm.s32 @p0 $0x1  }
0x13: {  	[smem:$0x3FB7] =	sst s0;
	s0 =	simm.s32 @!p1 $0x0  }
0x14: {  	s2 =	sld [smem:$0x3F9B];
	s0 =	simm.s32 @p1 $0x1  }
0x15: {  	[smem:$0x3FB8] =	sst s0;
	s0 =	simm.s32 @!p2 $0x0  }
0x16: {  	s3 =	sld [smem:$0x3FDB];
	s0 =	simm.s32 @p2 $0x1  }
0x17: {  	s4 =	simm.s32 $0x1BF5;
	[smem:$0x3FBA] =	sst s0  }
0x18: {  	s0 =	sld [smem:$0x3F9D];
	_ =	swait.ge [sflag:s4], $0x0  }
0x19: {  	s7 =	sld [smem:$0x3F9E]  }
0x1a: {  	s8 =	sadd.s32 $0xFFFFE003, lr  }
0x1b: {  	s9 =	sadd.s32 $0xFFFFFEF7, lr;
	s5 =	simm.s32 $0xFFFFFFFF;
	p2 =	slt.u32 s8, $0xFFFFF086  }
0x1c: {  	p1 =	slt.u32 s9, $0xF7A;
	s5 =	simm.s32 @!p2 $0x0  }
0x1d: {  	s5 =	simm.s32 @p1 $0x1;
	p0 =	seq.s32 s7, s2  }
0x1e: {  	s7 =	smul.u32 @!p0 $0xF7A, s2;
	p2 =	seq.s32 @!p0 s5, $0x0  }
0x1f: {  	s9 =	smul.u32 $0xF7A, s1;
	s8 =	simm.s32 @!p0 $0x1BF5;
	p2 =	por !p2, p0  }
0x20: {  	[sflag:s8] =	ssyncset.s32 @!p0 $0xFFFFF086;
	s6 =	sadd.s32 @!p0 s3, s7;
	s7 =	simm.s32 @!p0 $0x108  }
0x21: {  	s3 =	sadd.s32 s3, s9;
	s6 =	sadd.s32 @!p0 $0x88, s6;
	s7 =	simm.s32 @p2 $0x1082  }
0x22: {  	[simem:s7], [sflag:s8] =	dma.local @!p0 [hbm:s6], $0xF7A  }
0x23: {  	s9 =	sor.u32 $0xD0000000, s2;
	s6 =	simm.s32 $0x108;
	_ =	swait.ge @!p0 [sflag:s8], $0x0  }
0x24: {  	s3 =	sadd.s32 $0x88, s3;
	s6 =	simm.s32 @!p1 $0x1082;
	[sflag:s4] =	ssyncset.s32 $0xFFFFF086  }
0x25: {  	[simem:s6], [sflag:s4] =	dma.local [hbm:s3], $0xF7A  }
0x26: {  	[smem:$0x3F9E] =	sst s1;
	(tag) =	ssettag s2;
	_ =	strace s9  }
0x27: {  	s1 =	sld [smem:$0x3FAE]  }
0x28: {  	s2 =	sld [smem:$0x3FAF]  }
0x29: {  	s4 =	sld [smem:$0x3FB1]  }
0x2a: {  	p0 =	seq.s32 s5, $0x0;
	s5 =	sld [smem:$0x3FB2]  }
0x2b: {  	s6 =	sld [smem:$0x3FB3]  }
0x2c: {  	s7 =	sld [smem:$0x3FB4]  }
0x2d: {  	s3 =	simm.s32 $0x108;
	s8 =	sld [smem:$0x3FB5]  }
0x2e: {  	s3 =	simm.s32 @!p0 $0x1082;
	s9 =	sld [smem:$0x3FB6]  }
0x2f: {  	lr =	sadd.s32 s0, s3;
	s0 =	sld [smem:$0x3FAD]  }
0x30: {  	s3 =	sld [smem:$0x3FB0]  }
0x31: {  	[smem:$0x3FB9] =	sst s10  }
0x32: {  	s10 =	sld [smem:$0x3FB7];
	_ =	sdelay $0x3  }
0x33: {  	p0 =	seq.s32 s10, $0x1;
	s10 =	sld [smem:$0x3FB9];
	_ =	sdelay $0x3  }
0x34: {  	[smem:$0x3FB9] =	sst s10  }
0x35: {  	s10 =	sld [smem:$0x3FB8];
	_ =	sdelay $0x3  }
0x36: {  	p1 =	seq.s32 s10, $0x1;
	s10 =	sld [smem:$0x3FB9];
	_ =	sdelay $0x3  }
0x37: {  	[smem:$0x3FB9] =	sst s10  }
0x38: {  	s10 =	sld [smem:$0x3FBA]  }
0x39: {  	_ = 	snop;
	(pc) =	sbr.ind lr, $3  }
0x3a: {  	_ = 	snop  }
0x3b: {  	_ = 	snop  }
0x3c: {  	p2 =	seq.s32 s10, $0x1;
	s10 =	sld [smem:$0x3FB9]  }
0x3d: {  	_ =	shalt  }
0x3e: {  	_ =	shalt  }
0x3f: {  	_ =	shalt  }
0x40: {  	_ =	shalt  }
0x41: {  	_ =	shalt  }
0x42: {  	_ =	shalt  }
0x43: {  	_ =	shalt  }
0x44: {  	_ =	shalt  }
0x45: {  	_ =	shalt  }
0x46: {  	_ =	shalt  }
0x47: {  	_ =	shalt  }
0x48: {  	_ =	shalt  }
0x49: {  	_ =	shalt  }
0x4a: {  	_ =	shalt  }
0x4b: {  	_ =	shalt  }
0x4c: {  	_ =	shalt  }
0x4d: {  	_ =	shalt  }
0x4e: {  	_ =	shalt  }
0x4f: {  	_ =	shalt  }
0x50: {  	_ =	shalt  }
0x51: {  	_ =	shalt  }
0x52: {  	_ =	shalt  }
0x53: {  	_ =	shalt  }
0x54: {  	_ =	shalt  }
0x55: {  	_ =	shalt  }
0x56: {  	_ =	shalt  }
0x57: {  	_ =	shalt  }
0x58: {  	_ =	shalt  }
0x59: {  	_ =	shalt  }
0x5a: {  	_ =	shalt  }
0x5b: {  	_ =	shalt  }
0x5c: {  	_ =	shalt  }
0x5d: {  	_ =	shalt  }
0x5e: {  	_ =	shalt  }
0x5f: {  	_ =	shalt  }
0x60: {  	_ =	shalt  }
0x61: {  	_ =	shalt  }
0x62: {  	_ =	shalt  }
0x63: {  	_ =	shalt  }
0x64: {  	_ =	shalt  }
0x65: {  	_ =	shalt  }
0x66: {  	_ =	shalt  }
0x67: {  	_ =	shalt  }
0x68: {  	_ =	shalt  }
0x69: {  	_ =	shalt  }
0x6a: {  	_ =	shalt  }
0x6b: {  	_ =	shalt  }
0x6c: {  	_ =	shalt  }
0x6d: {  	_ =	shalt  }
0x6e: {  	_ =	shalt  }
0x6f: {  	_ =	shalt  }
0x70: {  	_ =	shalt  }
0x71: {  	_ =	shalt  }
0x72: {  	_ =	shalt  }
0x73: {  	_ =	shalt  }
0x74: {  	_ =	shalt  }
0x75: {  	_ =	shalt  }
0x76: {  	_ =	shalt  }
0x77: {  	_ =	shalt  }
0x78: {  	_ =	shalt  }
0x79: {  	_ =	shalt  }
0x7a: {  	_ =	shalt  }
0x7b: {  	_ =	shalt  }
0x7c: {  	_ =	shalt  }
0x7d: {  	_ =	shalt  }
0x7e: {  	_ =	shalt  }
0x7f: {  	_ =	shalt  }
0x80: {  	_ =	shalt  }
0x81: {  	_ =	shalt  }
0x82: {  	_ =	shalt  }
0x83: {  	_ =	shalt  }
0x84: {  	_ =	shalt  }
0x85: {  	_ =	shalt  }
0x86: {  	_ =	shalt  }
0x87: {  	_ =	shalt  }
.Lfunc_end0:
.L_simem_size_0:
called_computation_lowered:
.L_overlay_start_0:
0x88: {  	s2 =	sld [smem:$0x3FD9]  }
0x89: {  	s3 =	sld [smem:$0x3FFE];
	_ =	sdelay $0x1  }
0x8a: {  	s1 =	srdreg.scid  }
0x8b: {  	s0 =	sand.u32 $0x1, s1  }
0x8c: {  	s17 =	sshll.u32 s0, $0xA;
	s2 =	sadd.s32 s3, s2  }
0x8d: {  	s2 =	sadd.s32 s2, s17  }
0x8e: {  	[smem:$0x3FC5] =	sst s2  }
0x8f: {  	_ = 	snop  }
0x90: {  	s2 =	sld [smem:$0x3FC8]  }
0x91: {  	s18 =	sld [smem:$0x3FC7]  }
0x92: {  	s4 =	sld [smem:$0x3FD0];
	(tm) =	ssettm $0x1  }
0x93: {  	s5 =	sld [smem:$0x3FFB];
	_ =	sdelay $0x3  }
0x94: {  	_ =	strace s5  }
0x95: {  	s5 =	sld [smem:$0x3FFC];
	_ =	sdelay $0x3  }
0x96: {  	_ =	strace s5  }
0x97: {  	s5 =	sld [smem:$0x3FFD];
	_ =	sdelay $0x3  }
0x98: {  	_ =	strace s5  }
0x99: {  	_ =	strace $0x8FFFFFFF  }
0x9a: {  	s19 =	sld [smem:$0x3FDB];
	_ =	sdelay $0x1  }
0x9b: {  	s6 =	simm.s32 $_scs_section_size  }
0x9c: {  	s7 =	simm.s32 $_size__tile_overlayer_lowered;
	s8 =	simm.s32 $_tile_overlayer_lowered  }
0x9d: {  	s22 =	simm.s32 $0x1BFF;
	s21 =	sshll.u32 s8, $0x1;
	s5 =	sadd.s32 s6, s19  }
0x9e: {  	s9 =	simm.s32 $0x0;
	s20 =	sshll.u32 s7, $0x1;
	s7 =	sadd.s32 s21, s5  }
0x9f: {  	[timem:s9], [sflag:s22] =	dma.local [hbm:s7], s20  }
0xa0: {  	_ =	swait.ge [sflag:s22], s20  }
0xa1: {  	s6 =	ssub.s32 $0x0, s20;
	[sflag:s22] =	ssyncset.done $0x0  }
0xa2: {  	[sflag:s22] =	ssyncadd.s32 s6;
	_ =	sdelay $0x1  }
0xa3: {  	s23 =	simm.s32 $0x1B8B  }
0xa4: {  	_ =	swait.ge [sflag:s23], $0x1  }
0xa5: {  	[sflag:s23] =	ssyncset.done $0x0  }
0xa6: {  	s25 =	simm.s32 $0x1B8E;
	s24 =	sld [smem:$0x3FFE];
	[sflag:s23] =	ssyncadd.s32 $0xFFFFFFFF  }
0xa7: {  	s26 =	simm.s32 $execute0_lowered;
	[smem:$0x3FD2] =	sst s25  }
0xa8: {  	s7 =	sshll.u32 s26, $0x1;
	_ =	strace $0x80000046;
	[dreg:$0x1] =	wrdreg $0xFFFFFFFF  }
0xa9: {  	s28 =	simm.s32 $_size_execute0_lowered;
	s5 =	sadd.s32 s5, s7;
	[dreg:$0x0] =	wrdreg $0x0  }
0xaa: {  	s7 =	sshll.u32 s28, $0x1;
	[dreg:$0x2] =	wrdreg s5  }
0xab: {  	[dreg:$0x3] =	wrdreg s7  }
0xac: {  	[dreg:$0x4] =	wrdreg $0xC0  }
0xad: {  	_ =	task [dreg:s9], $0x5FFFF  }
0xae: {  	[dreg:$0x1] =	wrdreg $0xFFFFFFFF  }
0xaf: {  	[dreg:$0x0] =	wrdreg $0x60  }
0xb0: {  	[dreg:$0x2] =	wrdreg s24  }
0xb1: {  	[dreg:$0x3] =	wrdreg s2  }
0xb2: {  	[dreg:$0x4] =	wrdreg s18  }
0xb3: {  	[dreg:$0x5] =	wrdreg s4  }
0xb4: {  	[dreg:$0x6] =	wrdreg $0xA2000  }
0xb5: {  	[dreg:$0x7] =	wrdreg $0x9  }
0xb6: {  	_ =	task.clear_ibuf [dreg:s9], $0x8FFFF;
	_ =	strace $0x90000046  }
0xb7: {  	s29 =	simm.s32 $0x9;
	_ =	strace $0x80000048  }
0xb8: {  	_ =	swait.ge [sflag:s29], $0x1  }
0xb9: {  	[sflag:s29] =	ssyncadd.s32 $0xFFFFFFFF  }
0xba: {  	_ =	strace $0x90000048  }
0xbb: {  	_ =	sfence  }
0xbc: {  	s30 =	sld [smem:$0x0];
	_ =	sdelay $0x2  }
0xbd: {  	s31 =	sshll.u32 s1, $0xD;
	s1 =	sshrl.u32 s1, $0x2  }
0xbe: {  	s3 =	sand.u32 $0x4000, s31;
	s1 =	sadd.s32 s1, s30  }
0xbf: {  	s0 =	sor.u32 s3, s0;
	s1 =	sshll.u32 s1, $0x11  }
0xc0: {  	s0 =	sor.u32 s1, s0  }
0xc1: {  	s0 =	sadd.s32 $0x8F2B, s0  }
0xc2: {  	[sflag:s0] =	ssyncadd.remote.s32 $0x1  }
0xc3: {  	_ =	sfence.sel $0xFFFF  }
0xc4: {  	[dreg:$0x0] =	wrdreg $0xFFFFFFFF;
	(pc) =	sbr.abs _section_cstart, $3  }
0xc5: {  	[dreg:$0x1] =	wrdreg $0xFFFFFFFF  }
0xc6: {  	_ =	task.clear_ibuf [dreg:s9], $0x2FFFF;
	_ =	strace $0x9FFFFFFF  }
0xc7: {  	(tm) =	ssettm $0x7FFFFFFF  }
tec
execute0_lowered:
.L_overlay_start_1:
0x0: {  	(tag) =	ssettag $0x1  }
0x1: {  	s0 =	rddreg [dreg:$0x0]  }
0x2: {  	s4 =	rddreg [dreg:$0x1]  }
0x3: {  	s5 =	rddreg [dreg:$0x2]  }
0x4: {  	s6 =	rddreg [dreg:$0x3]  }
0x5: {  	s1 =	rddreg [dreg:$0x4]  }
0x6: {  	s2 =	simm.s32 $0x0;
	s3 =	srdreg.scid;
	s8 =	stileid.u32  }
0x7: {  	s29 =	simm.s32 $0x7A00;
	s30 =	simm.s32 $0x180;
	s31 =	simm.s32 $0x1  }
0x8: {  	s28 =	simm.s32 $0xA;
	[smem:$0x7FF] =	sst s2;
	s7 =	smul.u32 $0x4E000, s8  }
0x9: {  	s9 =	sand.u32 $0x1, s3;
	s3 =	sadd.s32 $0x400, s0;
	s13 =	smul.u32 $0x13800, s8  }
0xa: {  	s26 =	sshll.u32 s8, $0x6;
	s14 =	sadd.s32 $0x138000, s1;
	p0 =	sne.s32 s8, $0x0  }
0xb: {  	_ =	strace $0x80000047;
	s23 =	ssub.s32 $0x2, s9;
	[dreg:$0x8] =	wrdreg s26  }
0xc: {  	s11 =	sshll.u32 s9, $0x4;
	[dreg:$0x9] =	wrdreg s14;
	s16 =	smul.u32 $0x138800, s9  }
0xd: {  	s9 =	smul.u32 $0x271000, s9;
	s10 =	sshrl.u32 s23, $0x1;
	s24 =	sor.u32 s8, s11  }
0xe: {  	s7 =	sshrl.u32 s7, $0x2;
	s25 =	sshrl.u32 s13, $0x3;
	s11 =	smul.u32 $0x27100, s24  }
0xf: {  	s0 =	ssub.s32 s23, s10;
	s7 =	sadd.s32 s7, s1;
	s12 =	smul.u32 $0x138800, s24  }
0x10: {  	s14 =	sshll.u32 s24, $0xB;
	s21 =	sadd.s32 s13, s16;
	s23 =	sshrl.u32 s16, $0x3  }
0x11: {  	s10 =	simm.s32 $0x0;
	[dreg:$0x6] =	wrdreg s7;
	s7 =	sadd.s32 s5, s25  }
0x12: {  	s5 =	sadd.s32 $0x27000, s5;
	s22 =	sshrl.u32 s21, $0x3;
	s21 =	smax.u32 s0, $0x1  }
0x13: {  	s0 =	simm.s32 $0x5;
	[dreg:$0x7] =	wrdreg s7;
	s7 =	sor.u32 $0x1C09, s26  }
0x14: {  	[dreg:$0xa] =	wrdreg s5;
	s11 =	sadd.s32 s4, s11;
	s12 =	sshrl.u32 s12, $0x3  }
0x15: {  	[dreg:$0xb] =	wrdreg s11;
	s11 =	sadd.s32 s3, s14;
	s15 =	sadd.s32 s4, s12  }
0x16: {  	s12 =	sshll.u32 s24, $0xE;
	s24 =	smul.u32 $0x27100, s8;
	s17 =	sadd.s32 $0x500, s15  }
0x17: {  	s4 =	sadd.s32 s9, s4;
	s18 =	sadd.s32 $0x10, s11;
	[dreg:$0xc] =	wrdreg s17  }
0x18: {  	s8 =	simm.s32 $0x4;
	s19 =	sadd.s32 $0xA00, s15;
	[dreg:$0xd] =	wrdreg s18  }
0x19: {  	s9 =	simm.s32 $0x8;
	s20 =	sadd.s32 $0x20, s11;
	[dreg:$0xe] =	wrdreg s19  }
0x1a: {  	s5 =	sadd.s32 $0xF00, s15;
	s25 =	sadd.s32 $0x30, s11;
	[dreg:$0xf] =	wrdreg s20  }
.Ltmp0:
0x1b: {  	[dreg:$0x10] =	wrdreg s5;
	s5 =	sadd.s32 s6, s22;
	(pc) =	sbr.rel .LBB2_1-.Ltmp0, $4  }
0x1c: {  	[dreg:$0x12] =	wrdreg s25;
	s26 =	sadd.s32 s24, s4;
	s24 =	simm.s32 $0x2A00  }
0x1d: {  	s25 =	simm.s32 $0x80;
	s4 =	simm.s32 $0x2;
	[dreg:$0x11] =	wrdreg s5  }
0x1e: {  	s5 =	sadd.s32 s6, s23;
	s15 =	sadd.s32 $0x1400, s26;
	s23 =	simm.s32 $0x200  }
0x1f: {  	s26 =	simm.s32 $0x50;
	s20 =	sadd.s32 $0x27000, s5;
	s5 =	simm.s32 $0x6  }
.LBB2_4:
0x20: {  	_ =	swait.ge [sflag:s31], $0x2800  }
0x21: {  	[sflag:s31] =	ssyncset.done $0x0  }
0x22: {  	[sflag:s31] =	ssyncadd.s32 $0xFFFFD800  }
0x23: {  	_ =	swait.ge [sflag:s0], $0x80  }
0x24: {  	[sflag:s0] =	ssyncset.done $0x0  }
0x25: {  	[sflag:s0] =	ssyncadd.s32 $0xFFFFFF80  }
0x26: {  	[spmem:s1] =	stream.indirect.scatter.add.f32 [tilespmem:s23], [sflag:$0xA], $0x80, s2, s26, $0xb8;
	[tilespmem:$0x1DAC0] =	vst v63  }
0x27: {  	_ =	swait.ge [sflag:s28], $0x2800  }
0x28: {  	[sflag:s28] =	ssyncset.done $0x0  }
0x29: {  	[sflag:s28] =	ssyncadd.s32 $0xFFFFD800  }
0x2a: {  	[bflag:$0x0] =	sbarrier.arrive $0xFFFF  }
0x2b: {  	s14 =	rddreg [dreg:$0x8]  }
0x2c: {  	s16 =	rddreg [dreg:$0x11];
	s14 =	sor.u32 $0x1C0A, s14  }
0x2d: {  	[hbm:s16], [sflag:s14] =	dma.local [spmem:s6], $0x2700  }
0x2e: {  	s10 =	sadd.s32 $0x1, s10;
	_ =	swait.ge [sflag:s28], $0x2700  }
0x2f: {  	p1 =	sne.s32 s10, s21;
	[sflag:s28] =	ssyncset.done $0x0  }
.Ltmp1:
0x30: {  	s6 =	simm.s32 @!p0 $0xA;
	[sflag:s28] =	ssyncadd.s32 $0xFFFFD900;
	(pc) =	sbr.rel @!p1 .LBB2_5-.Ltmp1, $4  }
0x31: {  	[hbm:s20], [sflag:s14] =	dma.local @!p0 [spmem:s13], $0x100  }
0x32: {  	_ =	swait.ge @!p0 [sflag:s6], $0x100  }
0x33: {  	[sflag:s6] =	ssyncset.done @!p0 $0x0  }
0x34: {  	[sflag:s6] =	ssyncadd.s32 @!p0 $0xFFFFFF00  }
.LBB2_1:
0x35: {  	s6 =	rddreg [dreg:$0x6]  }
0x36: {  	s13 =	rddreg [dreg:$0x7];
	s6 =	sshrl.u32 s6, $0x3  }
0x37: {  	[spmem:s6], [sflag:s7] =	dma.local [hbm:s13], $0x2700  }
0x38: {  	s13 =	simm.s32 @p0 $0x9  }
0x39: {  	_ =	swait.ge @p0 [sflag:s13], $0x2700  }
0x3a: {  	[sflag:s13] =	ssyncset.done @p0 $0x0  }
0x3b: {  	[sflag:s13] =	ssyncadd.s32 @p0 $0xFFFFD900;
	s13 =	rddreg [dreg:$0x9]  }
0x3c: {  	s14 =	rddreg [dreg:$0xa];
	s13 =	sshrl.u32 @!p0 s13, $0x3  }
0x3d: {  	[spmem:s13], [sflag:s7] =	dma.local @!p0 [hbm:s14], $0x100  }
0x3e: {  	s14 =	simm.s32 @!p0 $0x9  }
0x3f: {  	_ =	swait.ge @!p0 [sflag:s14], $0x2700  }
0x40: {  	[sflag:s14] =	ssyncset.done @!p0 $0x0  }
0x41: {  	[sflag:s14] =	ssyncadd.s32 @!p0 $0xFFFFD900  }
0x42: {  	_ =	swait.ge @!p0 [sflag:s14], $0x100  }
0x43: {  	[sflag:s14] =	ssyncset.done @!p0 $0x0  }
0x44: {  	[sflag:s14] =	ssyncadd.s32 @!p0 $0xFFFFFF00  }
0x45: {  	[bflag:$0x0] =	sbarrier.arrive $0xFFFF  }
0x46: {  	s17 =	rddreg [dreg:$0xb]  }
0x47: {  	[tilespmem:s23], [sflag:$0x1] =	stream.linear.gather [hbm4b:s17+s2], $0x2800, $0x38;
	[tilespmem:$0x1DAC0] =	vst v63  }
0x48: {  	_ = 	snop  }
0x49: {  	[tilespmem:s2], [sflag:$0x5] =	stream.linear.gather [hbm4b:s11+s2], $0x80, $0x38;
	[tilespmem:$0x1DAC0] =	vst v63  }
0x4a: {  	s18 =	rddreg [dreg:$0xc]  }
0x4b: {  	[tilespmem:s24], [sflag:$0x2] =	stream.linear.gather [hbm4b:s18+s2], $0x2800, $0x38;
	[tilespmem:$0x1DAC0] =	vst v63  }
0x4c: {  	s19 =	rddreg [dreg:$0xd]  }
0x4d: {  	[tilespmem:s25], [sflag:$0x6] =	stream.linear.gather [hbm4b:s19+s2], $0x80, $0x38;
	[tilespmem:$0x1DAC0] =	vst v63  }
0x4e: {  	s16 =	simm.s32 $0x5200;
	s22 =	rddreg [dreg:$0xe]  }
0x4f: {  	[tilespmem:s16], [sflag:$0x3] =	stream.linear.gather [hbm4b:s22+s2], $0x2800, $0x38;
	[tilespmem:$0x1DAC0] =	vst v63  }
0x50: {  	s17 =	rddreg [dreg:$0xf];
	s18 =	simm.s32 $0x100  }
0x51: {  	[tilespmem:s18], [sflag:$0x7] =	stream.linear.gather [hbm4b:s17+s2], $0x80, $0x38;
	[tilespmem:$0x1DAC0] =	vst v63  }
0x52: {  	s19 =	rddreg [dreg:$0x10]  }
0x53: {  	[tilespmem:s29], [sflag:$0x4] =	stream.linear.gather [hbm4b:s19+s2], $0x2800, $0x38;
	[tilespmem:$0x1DAC0] =	vst v63  }
0x54: {  	s22 =	rddreg [dreg:$0x12]  }
0x55: {  	[tilespmem:s30], [sflag:$0x8] =	stream.linear.gather [hbm4b:s22+s2], $0x80, $0x38;
	[tilespmem:$0x1DAC0] =	vst v63  }
0x56: {  	s14 =	simm.s32 $0x380;
	s22 =	smov.u32 s15  }
.LBB2_2:
0x57: {  	_ =	swait.ge [sflag:s31], $0x2800  }
0x58: {  	[sflag:s31] =	ssyncset.done $0x0  }
0x59: {  	[sflag:s31] =	ssyncadd.s32 $0xFFFFD800  }
0x5a: {  	_ =	swait.ge [sflag:s0], $0x80  }
0x5b: {  	s16 =	sadd.s32 $0xFFFFFE80, s14;
	[sflag:s0] =	ssyncset.done $0x0  }
0x5c: {  	s17 =	sand.u32 $0x7C00, s16;
	[sflag:s0] =	ssyncadd.s32 $0xFFFFFF80  }
0x5d: {  	[spmem:s1] =	stream.indirect.scatter.add.f32 [tilespmem:s23], [sflag:$0xA], $0x80, s2, s26, $0xb8;
	[tilespmem:$0x1DAC0] =	vst v63  }
0x5e: {  	s16 =	sand.u32 $0x200, s16;
	s17 =	sadd.s32 s12, s17;
	_ =	swait.ge [sflag:s28], $0x2800  }
0x5f: {  	s16 =	sor.u32 s16, s17;
	[sflag:s28] =	ssyncset.done $0x0  }
0x60: {  	s16 =	sshrl.u32 s16, $0x3;
	[sflag:s28] =	ssyncadd.s32 $0xFFFFD800  }
0x61: {  	[tilespmem:s23], [sflag:$0x1] =	stream.linear.gather [hbm4b:s22+s2], $0x2800, $0x38;
	[tilespmem:$0x1DAC0] =	vst v63  }
0x62: {  	s16 =	sadd.s32 s3, s16  }
0x63: {  	[tilespmem:s2], [sflag:$0x5] =	stream.linear.gather [hbm4b:s16+s2], $0x80, $0x38;
	[tilespmem:$0x1DAC0] =	vst v63  }
0x64: {  	_ =	swait.ge [sflag:s4], $0x2800  }
0x65: {  	[sflag:s4] =	ssyncset.done $0x0  }
0x66: {  	[sflag:s4] =	ssyncadd.s32 $0xFFFFD800  }
0x67: {  	_ =	swait.ge [sflag:s5], $0x80  }
0x68: {  	[sflag:s5] =	ssyncset.done $0x0  }
0x69: {  	[sflag:s5] =	ssyncadd.s32 $0xFFFFFF80  }
0x6a: {  	[spmem:s1] =	stream.indirect.scatter.add.f32 [tilespmem:s24], [sflag:$0xA], $0x80, s25, s26, $0xb8;
	[tilespmem:$0x1DAC0] =	vst v63  }
0x6b: {  	_ =	swait.ge [sflag:s28], $0x2800  }
0x6c: {  	p1 =	seq.s32 s14, $0x3F80;
	[sflag:s28] =	ssyncset.done $0x0  }
0x6d: {  	s16 =	simm.s32 @p1 $0x3;
	[sflag:s28] =	ssyncadd.s32 $0xFFFFD800  }
0x6e: {  	_ =	swait.ge @p1 [sflag:s16], $0x2800  }
0x6f: {  	[sflag:s16] =	ssyncset.done @p1 $0x0  }
0x70: {  	[sflag:s16] =	ssyncadd.s32 @p1 $0xFFFFD800;
	s16 =	simm.s32 @p1 $0x7  }
0x71: {  	_ =	swait.ge @p1 [sflag:s16], $0x80  }
0x72: {  	s18 =	simm.s32 @p1 $0x5200;
	[sflag:s16] =	ssyncset.done @p1 $0x0  }
0x73: {  	s17 =	simm.s32 @p1 $0x100;
	[sflag:s16] =	ssyncadd.s32 @p1 $0xFFFFFF80;
	s16 =	simm.s32 @p1 $0x50  }
0x74: {  	[spmem:s1] =	stream.indirect.scatter.add.f32 @p1 [tilespmem:s18], [sflag:$0xA], $0x80, s17, s16, $0xb8;
	[tilespmem:$0x1DAC0] =	vst v63  }
0x75: {  	s16 =	simm.s32 @p1 $0xA  }
0x76: {  	_ =	swait.ge @p1 [sflag:s16], $0x2800  }
0x77: {  	s17 =	simm.s32 @!p1 $0x0;
	[sflag:s16] =	ssyncset.done @p1 $0x0  }
0x78: {  	s18 =	simm.s32 @!p1 $0x2A00;
	[sflag:s16] =	ssyncadd.s32 @p1 $0xFFFFD800;
	s16 =	sadd.s32 @!p1 $0x500, s22  }
0x79: {  	[tilespmem:s18], [sflag:$0x2] =	stream.linear.gather @!p1 [hbm4b:s16+s17], $0x2800, $0x38;
	[tilespmem:$0x1DAC0] =	vst v63  }
0x7a: {  	s16 =	sadd.s32 @!p1 $0xFFFFFF00, s14  }
0x7b: {  	s18 =	sand.u32 @!p1 $0x7C00, s16  }
0x7c: {  	s16 =	sand.u32 @!p1 $0x280, s16;
	s18 =	sadd.s32 @!p1 s12, s18  }
0x7d: {  	s16 =	sor.u32 @!p1 s16, s18  }
0x7e: {  	s16 =	sshrl.u32 @!p1 s16, $0x3  }
0x7f: {  	s18 =	simm.s32 @!p1 $0x80;
	s16 =	sadd.s32 @!p1 s3, s16  }
0x80: {  	[tilespmem:s18], [sflag:$0x6] =	stream.linear.gather @!p1 [hbm4b:s16+s17], $0x80, $0x38;
	[tilespmem:$0x1DAC0] =	vst v63  }
0x81: {  	s16 =	simm.s32 @!p1 $0x3  }
0x82: {  	_ =	swait.ge @!p1 [sflag:s16], $0x2800  }
0x83: {  	[sflag:s16] =	ssyncset.done @!p1 $0x0  }
0x84: {  	[sflag:s16] =	ssyncadd.s32 @!p1 $0xFFFFD800;
	s16 =	simm.s32 @!p1 $0x7  }
0x85: {  	_ =	swait.ge @!p1 [sflag:s16], $0x80  }
0x86: {  	s19 =	simm.s32 @!p1 $0x5200;
	[sflag:s16] =	ssyncset.done @!p1 $0x0  }
0x87: {  	s18 =	simm.s32 @!p1 $0x100;
	[sflag:s16] =	ssyncadd.s32 @!p1 $0xFFFFFF80;
	s16 =	simm.s32 @!p1 $0x50  }
0x88: {  	[spmem:s1] =	stream.indirect.scatter.add.f32 @!p1 [tilespmem:s19], [sflag:$0xA], $0x80, s18, s16, $0xb8;
	[tilespmem:$0x1DAC0] =	vst v63  }
0x89: {  	s16 =	simm.s32 @!p1 $0xA  }
0x8a: {  	_ =	swait.ge @!p1 [sflag:s16], $0x2800  }
0x8b: {  	[sflag:s16] =	ssyncset.done @!p1 $0x0  }
0x8c: {  	[sflag:s16] =	ssyncadd.s32 @!p1 $0xFFFFD800;
	s16 =	sadd.s32 @!p1 $0xA00, s22  }
0x8d: {  	[tilespmem:s19], [sflag:$0x3] =	stream.linear.gather @!p1 [hbm4b:s16+s17], $0x2800, $0x38;
	[tilespmem:$0x1DAC0] =	vst v63  }
0x8e: {  	s16 =	sadd.s32 @!p1 $0xFFFFFF80, s14  }
0x8f: {  	s19 =	sand.u32 @!p1 $0x7C00, s16  }
0x90: {  	s16 =	sand.u32 @!p1 $0x300, s16;
	s19 =	sadd.s32 @!p1 s12, s19  }
0x91: {  	s16 =	sor.u32 @!p1 s16, s19  }
0x92: {  	s16 =	sshrl.u32 @!p1 s16, $0x3  }
0x93: {  	s16 =	sadd.s32 @!p1 s3, s16  }
0x94: {  	[tilespmem:s18], [sflag:$0x7] =	stream.linear.gather @!p1 [hbm4b:s16+s17], $0x80, $0x38;
	[tilespmem:$0x1DAC0] =	vst v63  }
0x95: {  	_ =	swait.ge [sflag:s8], $0x2800  }
0x96: {  	[sflag:s8] =	ssyncset.done $0x0  }
0x97: {  	[sflag:s8] =	ssyncadd.s32 $0xFFFFD800  }
0x98: {  	_ =	swait.ge [sflag:s9], $0x80  }
0x99: {  	[sflag:s9] =	ssyncset.done $0x0  }
.Ltmp2:
0x9a: {  	[sflag:s9] =	ssyncadd.s32 $0xFFFFFF80;
	(pc) =	sbr.rel @p1 .LBB2_4-.Ltmp2, $4  }
0x9b: {  	[spmem:s1] =	stream.indirect.scatter.add.f32 [tilespmem:s29], [sflag:$0xA], $0x80, s30, s26, $0xb8;
	[tilespmem:$0x1DAC0] =	vst v63  }
0x9c: {  	_ =	swait.ge [sflag:s28], $0x2800  }
0x9d: {  	[sflag:s28] =	ssyncset.done $0x0  }
0x9e: {  	[sflag:s28] =	ssyncadd.s32 $0xFFFFD800  }
0x9f: {  	s16 =	sadd.s32 $0xF00, s22;
	s19 =	sand.u32 $0x7C00, s14  }
0xa0: {  	[tilespmem:s29], [sflag:$0x4] =	stream.linear.gather [hbm4b:s16+s2], $0x2800, $0x38;
	[tilespmem:$0x1DAC0] =	vst v63  }
.Ltmp3:
0xa1: {  	s17 =	sand.u32 $0x380, s14;
	s16 =	sadd.s32 s12, s19;
	(pc) =	sbr.rel .LBB2_2-.Ltmp3, $4  }
0xa2: {  	s16 =	sor.u32 s17, s16  }
0xa3: {  	s16 =	sshrl.u32 s16, $0x3  }
0xa4: {  	s22 =	sadd.s32 $0x1400, s22;
	s14 =	sadd.s32 $0x200, s14;
	s16 =	sadd.s32 s3, s16  }
0xa5: {  	[tilespmem:s30], [sflag:$0x8] =	stream.linear.gather [hbm4b:s16+s2], $0x80, $0x38;
	[tilespmem:$0x1DAC0] =	vst v63  }
.LBB2_5:
0xa6: {  	_ =	sfence.sel $0x180000  }
0xa7: {  	[bflag:$0x0] =	sbarrier.arrive $0xFFFF  }
0xa8: {  	_ =	strace $0x90000047  }
0xa9: {  	[bflag:$0x2] =	sbarrier.arrive $0xFFFF  }
0xaa: {  	s0 =	rddreg [dreg:$0x5]  }
0xab: {  	s0 =	sadd.s32 @!p0 $0x100000, s0  }
0xac: {  	[sflag:s0] =	ssyncadd.tile.s32 @!p0 $0x1;
	_ =	shalt  }
.Lfunc_end2:
_tile_overlayer_lowered:
.L_overlay_start_2:
0xad: {  	(tag) =	ssettag $0x2  }
0xae: {  	s0 =	rddreg [dreg:$0x0];
	s2 =	stileid.u32  }
0xaf: {  	s1 =	rddreg [dreg:$0x1];
	p0 =	sne.s32 s2, $0x0  }
0xb0: {  	s3 =	rddreg [dreg:$0x2];
	[bflag:$0x3] =	sbarrier.arrive $0xFFFF;
	s2 =	simm.s32 @!p0 $0x1C0A  }
0xb1: {  	[timem:s3], [sflag:s2] =	dma.local @!p0 [hbm:s0], s1  }
0xb2: {  	s0 =	simm.s32 @!p0 $0xA  }
0xb3: {  	_ =	swait.ge @!p0 [sflag:s0], s1  }
0xb4: {  	s1 =	ssub.s32 @!p0 $0x0, s1;
	[sflag:s0] =	ssyncset.done @!p0 $0x0  }
0xb5: {  	[sflag:s0] =	ssyncadd.s32 @!p0 s1  }
0xb6: {  	[bflag:$0x3] =	sbarrier.arrive $0xFFFF  }
0xb7: {  	_ =	shalt  }

</sc_bundles>
